<compile_context>
chip_gen: v7x
topology: tpu7x:2x2x1
jax: 0.10.2.dev20260603
libtpu: 0.0.44.dev20260713+nightly
codegen_flags: <defaults>
</compile_context>

<pallas_src>
import functools
import math

import jax
import jax.numpy as jnp
from jax import lax
from jax.experimental import pallas as pl
from jax.experimental.pallas import tpu as pltpu
from jax.experimental.pallas import tpu_sc as plsc


def _pos_encoding(seq_len, dim):
    position = jnp.arange(0, seq_len, dtype=jnp.float32)[:, None]
    div_term = jnp.exp(
        jnp.arange(0, dim, 2, dtype=jnp.float32) * -(math.log(10000.0) / dim)
    )
    pe = jnp.zeros((seq_len, dim), dtype=jnp.float32)
    pe = pe.at[:, 0::2].set(jnp.sin(position * div_term))
    pe = pe.at[:, 1::2].set(jnp.cos(position * div_term))
    return pe


NC, NS = 2, 16
NW = NC * NS
L = 16


@jax.jit
def _sc_stage(table_t, tailp):
    dim, vocab = table_t.shape
    n_full = vocab // 128
    rem = vocab - n_full * 128
    per_w = n_full // NW
    extra = n_full - per_w * NW

    mesh = plsc.VectorSubcoreMesh(core_axis_name="c", subcore_axis_name="s")

    @functools.partial(
        pl.kernel,
        mesh=mesh,
        out_type=jax.ShapeDtypeStruct((vocab, 128), jnp.float32),
        scratch_types=[
            pltpu.VMEM((dim, 128), jnp.float32),
            pltpu.VMEM((dim, 128), jnp.float32),
            pltpu.VMEM((128, 128), jnp.float32),
            pltpu.VMEM((128, 128), jnp.float32),
            pltpu.SemaphoreType.DMA,
            pltpu.SemaphoreType.DMA,
            pltpu.SemaphoreType.DMA,
            pltpu.SemaphoreType.DMA,
        ],
        compiler_params=pltpu.CompilerParams(
            use_tc_tiling_on_sc=True, needs_layout_passes=False),
    )
    def body(tt_hbm, tail_hbm, out_hbm, in0, in1, wb0, wb1, gi0, gi1, go0, go1):
        wid = lax.axis_index("s") * NC + lax.axis_index("c")
        iota = lax.iota(jnp.int32, L)
        bufs = ((in0, wb0, gi0, go0), (in1, wb1, gi1, go1))

        def cstart(t):
            blk = jnp.where(t < per_w, wid * per_w + t, n_full - extra + wid)
            return blk * 128

        def issue_in(t, inb, gisem):
            pltpu.async_copy(
                tt_hbm.at[:, pl.ds(cstart(t), 128)], inb, gisem)

        my_blocks = jnp.where(wid < extra, per_w + 1, per_w)

        for b in range(2):
            issue_in(b, bufs[b][0], bufs[b][2])

        def process(t, buf):
            inb, wbb, gisem, gosem = buf
            pltpu.make_async_copy(
                tt_hbm.at[:, pl.ds(0, 128)], inb, gisem).wait()

            @pl.when(t >= 2)
            def _():
                pltpu.make_async_copy(
                    wbb, out_hbm.at[pl.ds(0, 128)], gosem).wait()

            @plsc.parallel_loop(0, 128, 1, unroll=2)
            def _(w):
                colw = jnp.full((L,), w, jnp.int32)
                for dg in range(dim // L):
                    v = plsc.load_gather(inb, (iota + dg * L, colw))
                    wbb[w, pl.ds(dg * L, L)] = v

            pltpu.async_copy(
                wbb, out_hbm.at[pl.ds(cstart(t), 128)], gosem)

            @pl.when(t + 2 < my_blocks)
            def _():
                issue_in(t + 2, inb, gisem)

        def step2(g, carry):
            process(2 * g, bufs[0])
            process(2 * g + 1, bufs[1])
            return carry

        lax.fori_loop(0, per_w // 2, step2, 0)

        @pl.when(wid < extra)
        def _():
            process(per_w, bufs[0])

        for b in range(2):
            _, wbb, _, gosem = bufs[b]
            pltpu.make_async_copy(
                wbb, out_hbm.at[pl.ds(0, 128)], gosem).wait()

        @pl.when(wid == NW - 1)
        def _():
            _, wbb, _, gosem = bufs[0]
            pltpu.sync_copy(tail_hbm, wbb.at[pl.ds(0, rem)])
            pltpu.async_copy(
                wbb.at[pl.ds(0, rem)],
                out_hbm.at[pl.ds(n_full * 128, rem)], gosem)
            pltpu.make_async_copy(
                wbb.at[pl.ds(0, rem)],
                out_hbm.at[pl.ds(0, rem)], gosem).wait()

    return body(table_t, tailp)


@functools.partial(jax.jit, static_argnums=(3, 4))
def _sc_embed(idx, pe, staged, batch, seq):
    n_rows = batch * seq
    dim = 64
    n_chunks = batch // NW
    s_a = 128
    s_b = seq - s_a

    mesh = plsc.VectorSubcoreMesh(core_axis_name="c", subcore_axis_name="s")

    @functools.partial(
        pl.kernel,
        mesh=mesh,
        out_type=jax.ShapeDtypeStruct((n_rows, dim), jnp.float32),
        scratch_types=[
            pltpu.VMEM((seq, dim), jnp.float32),
            pltpu.VMEM((seq,), jnp.int32),
            pltpu.VMEM((seq,), jnp.int32),
            pltpu.VMEM((seq, 128), jnp.float32),
            pltpu.VMEM((seq, 128), jnp.float32),
            pltpu.VMEM((seq, dim), jnp.float32),
            pltpu.VMEM((seq, dim), jnp.float32),
            pltpu.SemaphoreType.DMA,
            pltpu.SemaphoreType.DMA,
            pltpu.SemaphoreType.DMA,
            pltpu.SemaphoreType.DMA,
            pltpu.SemaphoreType.DMA,
            pltpu.SemaphoreType.DMA,
        ],
        compiler_params=pltpu.CompilerParams(use_tc_tiling_on_sc=False),
    )
    def body(idx_hbm, pe_hbm, table_hbm, out_hbm,
             pe_v, idx0, idx1, rows0, rows1, outs0, outs1,
             gs0, gs1, is0, is1, os0, os1):
        wid = lax.axis_index("s") * NC + lax.axis_index("c")
        first = wid * n_chunks
        pltpu.sync_copy(pe_hbm, pe_v)

        def issue_gather(t, idxb, rowsb, gsem):
            pltpu.async_copy(
                table_hbm.at[idxb.at[pl.ds(0, s_a)]],
                rowsb.at[pl.ds(0, s_a)], gsem)
            pltpu.async_copy(
                table_hbm.at[idxb.at[pl.ds(s_a, s_b)]],
                rowsb.at[pl.ds(s_a, s_b)], gsem)

        bufs = ((idx0, rows0, outs0, gs0, is0, os0),
                (idx1, rows1, outs1, gs1, is1, os1))

        for b in range(2):
            idxb, rowsb, _, gsem, _, _ = bufs[b]
            base = (first + b) * seq
            pltpu.sync_copy(idx_hbm.at[pl.ds(base, seq)], idxb)
            issue_gather(b, idxb, rowsb, gsem)

        def process(t, buf):
            idxb, rowsb, outb, gsem, isem, osem = buf
            pltpu.make_async_copy(
                table_hbm.at[idxb], rowsb, gsem).wait()
            @pl.when(t + 2 < n_chunks)
            def _():
                base2 = (first + t + 2) * seq
                pltpu.async_copy(idx_hbm.at[pl.ds(base2, seq)], idxb, isem)
            @pl.when(t >= 2)
            def _():
                pltpu.make_async_copy(
                    outb, out_hbm.at[pl.ds(0, seq)], osem).wait()

            @plsc.parallel_loop(0, seq, 1, unroll=8)
            def _(i):
                for c in range(dim // 16):
                    sl = pl.ds(c * 16, 16)
                    outb[i, sl] = rowsb[i, sl] + pe_v[i, sl]

            base = (first + t) * seq
            pltpu.async_copy(outb, out_hbm.at[pl.ds(base, seq)], osem)
            @pl.when(t + 2 < n_chunks)
            def _():
                pltpu.make_async_copy(
                    idx_hbm.at[pl.ds(0, seq)], idxb, isem).wait()
                issue_gather(t + 2, idxb, rowsb, gsem)

        def step(g, carry):
            process(2 * g, bufs[0])
            process(2 * g + 1, bufs[1])
            return carry

        lax.fori_loop(0, n_chunks // 2, step, 0)

        for b in range(2):
            _, _, outb, _, _, osem = bufs[b]
            pltpu.make_async_copy(outb, out_hbm.at[pl.ds(0, seq)], osem).wait()

    return body(idx, pe, staged)


def kernel(x, table):
    batch, seq = x.shape
    dim = table.shape[1]
    idx = x.reshape(-1).astype(jnp.int32)
    pe = _pos_encoding(seq, dim)
    n_full = (table.shape[0] // 128) * 128
    tailp = jnp.pad(table[n_full:, :], ((0, 0), (0, 128 - dim)))
    staged = _sc_stage(table.T, tailp)
    out = _sc_embed(idx, pe, staged, batch, seq)
    return out.reshape(batch, seq, dim)

# --- scband reference (transcript-rebuilt; emitter-appended) ---
"""Pipeline reference for scband-music-embedding-66142496358868 (READ-ONLY COPY).

The authoritative reference and input builder live on the scoring server;
editing this copy changes nothing except your own understanding.
"""

import jax, jax.numpy as jnp
import numpy as np
import math

VOCAB_SIZE = 1000000
EMBED_DIM = 64
MAX_SEQ_LEN = 2048
BATCH = 4096
SEQ = 200


def _make_pe(max_seq_length, embedding_dim):
    position = jnp.arange(0, max_seq_length, dtype=jnp.float32)[:, None]
    div_term = jnp.exp(jnp.arange(0, embedding_dim, 2, dtype=jnp.float32) * -(math.log(10000.0) / embedding_dim))
    pe = jnp.zeros((1, max_seq_length, embedding_dim), dtype=jnp.float32)
    pe = pe.at[0, :, 0::2].set(jnp.sin(position * div_term))
    pe = pe.at[0, :, 1::2].set(jnp.cos(position * div_term))
    return pe


def setup_inputs(seed: int = 0) -> dict:
    key = jax.random.key(seed)
    k1, k2 = jax.random.split(key)
    x = jax.random.randint(k1, (BATCH, SEQ), 0, VOCAB_SIZE)
    # nn.Embedding default init: N(0, 1)
    table = jax.random.normal(k2, (VOCAB_SIZE, EMBED_DIM), dtype=jnp.float32)
    return {"x": x, "table": table}


def reference(x, table):
    token_embeddings = jnp.take(table, x, axis=0)
    pe = _make_pe(MAX_SEQ_LEN, EMBED_DIM)
    positional_embeddings = pe[:, :x.shape[1], :]
    embeddings = token_embeddings + positional_embeddings
    return embeddings

if __name__ == "__main__":
    import jax
    _d = setup_inputs()
    print(jax.jit(kernel)(*tuple(_d.values())))

</pallas_src>

<mosaic_0001>
#map = affine_map<(d0, d1) -> (0, 0)>
module attributes {stable_mosaic.version = 14 : i64} {
  func.func @body(%arg0: i32, %arg1: i32, %arg2: memref<64x1000000xf32, #tpu.memory_space<hbm>>, %arg3: memref<64x128xf32, #tpu.memory_space<hbm>>, %arg4: memref<1000000x128xf32, #tpu.memory_space<hbm>>, %arg5: memref<64x128xf32, #tpu.memory_space<vmem>>, %arg6: memref<64x128xf32, #tpu.memory_space<vmem>>, %arg7: memref<128x128xf32, #tpu.memory_space<vmem>>, %arg8: memref<128x128xf32, #tpu.memory_space<vmem>>, %arg9: memref<!tpu.dma_semaphore, #tpu.memory_space<semaphore_mem>>, %arg10: memref<!tpu.dma_semaphore, #tpu.memory_space<semaphore_mem>>, %arg11: memref<!tpu.dma_semaphore, #tpu.memory_space<semaphore_mem>>, %arg12: memref<!tpu.dma_semaphore, #tpu.memory_space<semaphore_mem>>) attributes {dimension_semantics = [#tpu.dimension_semantics<core_parallel>, #tpu.dimension_semantics<subcore_parallel>], iteration_bounds = array<i64: 2, 16>, scalar_prefetch = 0 : i64, scratch_operands = 8 : i64, tpu.core_type = #tpu.core_type<sc_vector_subcore>, window_params = [{transform_indices = #map}, {transform_indices = #map}, {transform_indices = #map}]} {
    %mul3A = arith.constant 2 : i32
    %mul3A_0 = arith.muli %arg1, %mul3A : i32
    %add3A = arith.addi %mul3A_0, %arg0 : i32
    %iota3A = tpu.iota {dimensions = array<i32: 0>} : vector<16xi32>
    %lt3A = arith.constant 4 : i32
    %lt3A_1 = arith.cmpi slt, %add3A, %lt3A : i32
    %jit3A = arith.constant 245 : i32
    %jit3A_2 = arith.constant 244 : i32
    %select_n3A = arith.select %lt3A_1, %jit3A, %jit3A_2 : i32
    %mul3A_3 = arith.constant 244 : i32
    %mul3A_4 = arith.muli %add3A, %mul3A_3 : i32
    %add3A_5 = arith.constant 0 : i32
    %add3A_6 = arith.addi %mul3A_4, %add3A_5 : i32
    %add3A_7 = arith.constant 7808 : i32
    %add3A_8 = arith.addi %add3A_7, %add3A : i32
    %jit3A_9 = arith.constant true
    %select_n3A_10 = arith.select %jit3A_9, %add3A_6, %add3A_8 : i32
    %mul3A_11 = arith.constant 128 : i32
    %mul3A_12 = arith.muli %select_n3A_10, %mul3A_11 : i32
    %dma_start3A = arith.constant 0 : i32
    %dma_start3A_13 = tpu.memref_slice %arg2[%dma_start3A, %mul3A_12] : memref<64x1000000xf32, #tpu.memory_space<hbm>> -> memref<64x128xf32, #tpu.memory_space<hbm>>
    %dma_start3A_14 = arith.constant 0 : i32
    %dma_start3A_15 = tpu.memref_slice %arg2[%dma_start3A_14, %mul3A_12] : memref<64x1000000xf32, #tpu.memory_space<hbm>> -> memref<64x128xf32, #tpu.memory_space<hbm>>
    tpu.enqueue_dma source(%dma_start3A_15 : memref<64x128xf32, #tpu.memory_space<hbm>>) target(%arg5 : memref<64x128xf32, #tpu.memory_space<vmem>>) target_semaphore(%arg9 : memref<!tpu.dma_semaphore, #tpu.memory_space<semaphore_mem>>)
    %mul3A_16 = arith.constant 244 : i32
    %mul3A_17 = arith.muli %add3A, %mul3A_16 : i32
    %add3A_18 = arith.constant 1 : i32
    %add3A_19 = arith.addi %mul3A_17, %add3A_18 : i32
    %add3A_20 = arith.constant 7808 : i32
    %add3A_21 = arith.addi %add3A_20, %add3A : i32
    %jit3A_22 = arith.constant true
    %select_n3A_23 = arith.select %jit3A_22, %add3A_19, %add3A_21 : i32
    %mul3A_24 = arith.constant 128 : i32
    %mul3A_25 = arith.muli %select_n3A_23, %mul3A_24 : i32
    %dma_start3A_26 = arith.constant 0 : i32
    %dma_start3A_27 = tpu.memref_slice %arg2[%dma_start3A_26, %mul3A_25] : memref<64x1000000xf32, #tpu.memory_space<hbm>> -> memref<64x128xf32, #tpu.memory_space<hbm>>
    %dma_start3A_28 = arith.constant 0 : i32
    %dma_start3A_29 = tpu.memref_slice %arg2[%dma_start3A_28, %mul3A_25] : memref<64x1000000xf32, #tpu.memory_space<hbm>> -> memref<64x128xf32, #tpu.memory_space<hbm>>
    tpu.enqueue_dma source(%dma_start3A_29 : memref<64x128xf32, #tpu.memory_space<hbm>>) target(%arg6 : memref<64x128xf32, #tpu.memory_space<vmem>>) target_semaphore(%arg10 : memref<!tpu.dma_semaphore, #tpu.memory_space<semaphore_mem>>)
    %scan3A = arith.constant 0 : i32
    %scan3A_30 = arith.constant 0 : i32
    %scan3A_31 = arith.constant 122 : i32
    %scan3A_32 = arith.addi %scan3A_30, %scan3A_31 : i32
    %scan3A_33 = arith.constant 1 : i32
    scf.for %scan3A_53 = %scan3A_30 to %scan3A_32 step %scan3A_33  : i32 {
      %mul3A_54 = arith.constant 2 : i32
      %mul3A_55 = arith.muli %mul3A_54, %scan3A_53 : i32
      %dma_wait3A_56 = arith.constant 0 : i32
      %dma_wait3A_57 = arith.constant 0 : i32
      %dma_wait3A_58 = tpu.memref_slice %arg2[%dma_wait3A_56, %dma_wait3A_57] : memref<64x1000000xf32, #tpu.memory_space<hbm>> -> memref<64x128xf32, #tpu.memory_space<hbm>>
      %dma_wait3A_59 = arith.constant 0 : i32
      %dma_wait3A_60 = arith.constant 0 : i32
      %dma_wait3A_61 = tpu.memref_slice %arg2[%dma_wait3A_59, %dma_wait3A_60] : memref<64x1000000xf32, #tpu.memory_space<hbm>> -> memref<64x128xf32, #tpu.memory_space<hbm>>
      tpu.wait_dma2 semaphore(%arg9 : memref<!tpu.dma_semaphore, #tpu.memory_space<semaphore_mem>>) src(%dma_wait3A_61 : memref<64x128xf32, #tpu.memory_space<hbm>>) dst(%arg5 : memref<64x128xf32, #tpu.memory_space<vmem>>)
      %ge3A = arith.constant 2 : i32
      %ge3A_62 = arith.cmpi sge, %mul3A_55, %ge3A : i32
      %convert_element_type3A_63 = arith.extui %ge3A_62 : i1 to i32
      %cond3A_64 = arith.constant 0 : i32
      %cond3A_65 = arith.cmpi ne, %convert_element_type3A_63, %cond3A_64 : i32
      scf.if %cond3A_65 {
        %dma_wait3A_126 = arith.constant 0 : i32
        %dma_wait3A_127 = arith.constant 0 : i32
        %dma_wait3A_128 = tpu.memref_slice %arg4[%dma_wait3A_126, %dma_wait3A_127] : memref<1000000x128xf32, #tpu.memory_space<hbm>> -> memref<128x128xf32, #tpu.memory_space<hbm>>
        %dma_wait3A_129 = arith.constant 0 : i32
        %dma_wait3A_130 = arith.constant 0 : i32
        %dma_wait3A_131 = tpu.memref_slice %arg4[%dma_wait3A_129, %dma_wait3A_130] : memref<1000000x128xf32, #tpu.memory_space<hbm>> -> memref<128x128xf32, #tpu.memory_space<hbm>>
        tpu.wait_dma2 semaphore(%arg11 : memref<!tpu.dma_semaphore, #tpu.memory_space<semaphore_mem>>) src(%arg7 : memref<128x128xf32, #tpu.memory_space<vmem>>) dst(%dma_wait3A_131 : memref<128x128xf32, #tpu.memory_space<hbm>>)
      } else {
      }
      %parallel_loop3A = arith.constant 0 : i32
      %parallel_loop3A_66 = arith.constant 128 : i32
      %parallel_loop3A_67 = arith.constant 1 : i32
      scf.for %parallel_loop3A_126 = %parallel_loop3A to %parallel_loop3A_66 step %parallel_loop3A_67  : i32 {
        %parallel_loop3A_127 = vector.broadcast %parallel_loop3A_126 : i32 to vector<16xi32>
        %parallel_loop3A_128 = arith.constant 0 : i32
        %parallel_loop3A_129 = vector.broadcast %parallel_loop3A_128 : i32 to vector<16xi32>
        %parallel_loop3A_130 = arith.addi %iota3A, %parallel_loop3A_129 : vector<16xi32>
        %parallel_loop3A_131 = tpu.vector_load_idx %arg5[%parallel_loop3A_130, %parallel_loop3A_127] : memref<64x128xf32, #tpu.memory_space<vmem>>[vector<16xi32>, vector<16xi32>], vector<16xf32>,
        %parallel_loop3A_132 = arith.index_cast %parallel_loop3A_126 : i32 to index
        %parallel_loop3A_133 = arith.constant 0 : index
        %parallel_loop3A_134 = tpu.vector_load %arg7[%parallel_loop3A_132, %parallel_loop3A_133] {strides = array<i32>} : memref<128x128xf32, #tpu.memory_space<vmem>>, vector<16xf32>,
        tpu.vector_store %arg7[%parallel_loop3A_132, %parallel_loop3A_133], %parallel_loop3A_131 {strides = array<i32>} : memref<128x128xf32, #tpu.memory_space<vmem>>, vector<16xf32>,
        %parallel_loop3A_135 = arith.constant 16 : i32
        %parallel_loop3A_136 = vector.broadcast %parallel_loop3A_135 : i32 to vector<16xi32>
        %parallel_loop3A_137 = arith.addi %iota3A, %parallel_loop3A_136 : vector<16xi32>
        %parallel_loop3A_138 = tpu.vector_load_idx %arg5[%parallel_loop3A_137, %parallel_loop3A_127] : memref<64x128xf32, #tpu.memory_space<vmem>>[vector<16xi32>, vector<16xi32>], vector<16xf32>,
        %parallel_loop3A_139 = arith.index_cast %parallel_loop3A_126 : i32 to index
        %parallel_loop3A_140 = arith.constant 16 : index
        %parallel_loop3A_141 = tpu.vector_load %arg7[%parallel_loop3A_139, %parallel_loop3A_140] {strides = array<i32>} : memref<128x128xf32, #tpu.memory_space<vmem>>, vector<16xf32>,
        tpu.vector_store %arg7[%parallel_loop3A_139, %parallel_loop3A_140], %parallel_loop3A_138 {strides = array<i32>} : memref<128x128xf32, #tpu.memory_space<vmem>>, vector<16xf32>,
        %parallel_loop3A_142 = arith.constant 32 : i32
        %parallel_loop3A_143 = vector.broadcast %parallel_loop3A_142 : i32 to vector<16xi32>
        %parallel_loop3A_144 = arith.addi %iota3A, %parallel_loop3A_143 : vector<16xi32>
        %parallel_loop3A_145 = tpu.vector_load_idx %arg5[%parallel_loop3A_144, %parallel_loop3A_127] : memref<64x128xf32, #tpu.memory_space<vmem>>[vector<16xi32>, vector<16xi32>], vector<16xf32>,
        %parallel_loop3A_146 = arith.index_cast %parallel_loop3A_126 : i32 to index
        %parallel_loop3A_147 = arith.constant 32 : index
        %parallel_loop3A_148 = tpu.vector_load %arg7[%parallel_loop3A_146, %parallel_loop3A_147] {strides = array<i32>} : memref<128x128xf32, #tpu.memory_space<vmem>>, vector<16xf32>,
        tpu.vector_store %arg7[%parallel_loop3A_146, %parallel_loop3A_147], %parallel_loop3A_145 {strides = array<i32>} : memref<128x128xf32, #tpu.memory_space<vmem>>, vector<16xf32>,
        %parallel_loop3A_149 = arith.constant 48 : i32
        %parallel_loop3A_150 = vector.broadcast %parallel_loop3A_149 : i32 to vector<16xi32>
        %parallel_loop3A_151 = arith.addi %iota3A, %parallel_loop3A_150 : vector<16xi32>
        %parallel_loop3A_152 = tpu.vector_load_idx %arg5[%parallel_loop3A_151, %parallel_loop3A_127] : memref<64x128xf32, #tpu.memory_space<vmem>>[vector<16xi32>, vector<16xi32>], vector<16xf32>,
        %parallel_loop3A_153 = arith.index_cast %parallel_loop3A_126 : i32 to index
        %parallel_loop3A_154 = arith.constant 48 : index
        %parallel_loop3A_155 = tpu.vector_load %arg7[%parallel_loop3A_153, %parallel_loop3A_154] {strides = array<i32>} : memref<128x128xf32, #tpu.memory_space<vmem>>, vector<16xf32>,
        tpu.vector_store %arg7[%parallel_loop3A_153, %parallel_loop3A_154], %parallel_loop3A_152 {strides = array<i32>} : memref<128x128xf32, #tpu.memory_space<vmem>>, vector<16xf32>,
      } {sc.loop_unroll_factor = 2 : i64, sc.parallel_access}
      %lt3A_68 = arith.constant 244 : i32
      %lt3A_69 = arith.cmpi slt, %mul3A_55, %lt3A_68 : i32
      %mul3A_70 = arith.constant 244 : i32
      %mul3A_71 = arith.muli %add3A, %mul3A_70 : i32
      %add3A_72 = arith.addi %mul3A_71, %mul3A_55 : i32
      %add3A_73 = arith.constant 7808 : i32
      %add3A_74 = arith.addi %add3A_73, %add3A : i32
      %select_n3A_75 = arith.select %lt3A_69, %add3A_72, %add3A_74 : i32
      %mul3A_76 = arith.constant 128 : i32
      %mul3A_77 = arith.muli %select_n3A_75, %mul3A_76 : i32
      %dma_start3A_78 = arith.constant 0 : i32
      %dma_start3A_79 = tpu.memref_slice %arg4[%mul3A_77, %dma_start3A_78] : memref<1000000x128xf32, #tpu.memory_space<hbm>> -> memref<128x128xf32, #tpu.memory_space<hbm>>
      %dma_start3A_80 = arith.constant 0 : i32
      %dma_start3A_81 = tpu.memref_slice %arg4[%mul3A_77, %dma_start3A_80] : memref<1000000x128xf32, #tpu.memory_space<hbm>> -> memref<128x128xf32, #tpu.memory_space<hbm>>
      tpu.enqueue_dma source(%arg7 : memref<128x128xf32, #tpu.memory_space<vmem>>) target(%dma_start3A_81 : memref<128x128xf32, #tpu.memory_space<hbm>>) target_semaphore(%arg11 : memref<!tpu.dma_semaphore, #tpu.memory_space<semaphore_mem>>)
      %add3A_82 = arith.constant 2 : i32
      %add3A_83 = arith.addi %mul3A_55, %add3A_82 : i32
      %lt3A_84 = arith.cmpi slt, %add3A_83, %select_n3A : i32
      %convert_element_type3A_85 = arith.extui %lt3A_84 : i1 to i32
      %cond3A_86 = arith.constant 0 : i32
      %cond3A_87 = arith.cmpi ne, %convert_element_type3A_85, %cond3A_86 : i32
      scf.if %cond3A_87 {
        %add3A_126 = arith.constant 2 : i32
        %add3A_127 = arith.addi %mul3A_55, %add3A_126 : i32
        %lt3A_128 = arith.constant 244 : i32
        %lt3A_129 = arith.cmpi slt, %add3A_127, %lt3A_128 : i32
        %mul3A_130 = arith.constant 244 : i32
        %mul3A_131 = arith.muli %add3A, %mul3A_130 : i32
        %add3A_132 = arith.addi %mul3A_131, %add3A_127 : i32
        %add3A_133 = arith.constant 7808 : i32
        %add3A_134 = arith.addi %add3A_133, %add3A : i32
        %select_n3A_135 = arith.select %lt3A_129, %add3A_132, %add3A_134 : i32
        %mul3A_136 = arith.constant 128 : i32
        %mul3A_137 = arith.muli %select_n3A_135, %mul3A_136 : i32
        %dma_start3A_138 = arith.constant 0 : i32
        %dma_start3A_139 = tpu.memref_slice %arg2[%dma_start3A_138, %mul3A_137] : memref<64x1000000xf32, #tpu.memory_space<hbm>> -> memref<64x128xf32, #tpu.memory_space<hbm>>
        %dma_start3A_140 = arith.constant 0 : i32
        %dma_start3A_141 = tpu.memref_slice %arg2[%dma_start3A_140, %mul3A_137] : memref<64x1000000xf32, #tpu.memory_space<hbm>> -> memref<64x128xf32, #tpu.memory_space<hbm>>
        tpu.enqueue_dma source(%dma_start3A_141 : memref<64x128xf32, #tpu.memory_space<hbm>>) target(%arg5 : memref<64x128xf32, #tpu.memory_space<vmem>>) target_semaphore(%arg9 : memref<!tpu.dma_semaphore, #tpu.memory_space<semaphore_mem>>)
      } else {
      }
      %mul3A_88 = arith.constant 2 : i32
      %mul3A_89 = arith.muli %mul3A_88, %scan3A_53 : i32
      %add3A_90 = arith.constant 1 : i32
      %add3A_91 = arith.addi %mul3A_89, %add3A_90 : i32
      %dma_wait3A_92 = arith.constant 0 : i32
      %dma_wait3A_93 = arith.constant 0 : i32
      %dma_wait3A_94 = tpu.memref_slice %arg2[%dma_wait3A_92, %dma_wait3A_93] : memref<64x1000000xf32, #tpu.memory_space<hbm>> -> memref<64x128xf32, #tpu.memory_space<hbm>>
      %dma_wait3A_95 = arith.constant 0 : i32
      %dma_wait3A_96 = arith.constant 0 : i32
      %dma_wait3A_97 = tpu.memref_slice %arg2[%dma_wait3A_95, %dma_wait3A_96] : memref<64x1000000xf32, #tpu.memory_space<hbm>> -> memref<64x128xf32, #tpu.memory_space<hbm>>
      tpu.wait_dma2 semaphore(%arg10 : memref<!tpu.dma_semaphore, #tpu.memory_space<semaphore_mem>>) src(%dma_wait3A_97 : memref<64x128xf32, #tpu.memory_space<hbm>>) dst(%arg6 : memref<64x128xf32, #tpu.memory_space<vmem>>)
      %ge3A_98 = arith.constant 2 : i32
      %ge3A_99 = arith.cmpi sge, %add3A_91, %ge3A_98 : i32
      %convert_element_type3A_100 = arith.extui %ge3A_99 : i1 to i32
      %cond3A_101 = arith.constant 0 : i32
      %cond3A_102 = arith.cmpi ne, %convert_element_type3A_100, %cond3A_101 : i32
      scf.if %cond3A_102 {
        %dma_wait3A_126 = arith.constant 0 : i32
        %dma_wait3A_127 = arith.constant 0 : i32
        %dma_wait3A_128 = tpu.memref_slice %arg4[%dma_wait3A_126, %dma_wait3A_127] : memref<1000000x128xf32, #tpu.memory_space<hbm>> -> memref<128x128xf32, #tpu.memory_space<hbm>>
        %dma_wait3A_129 = arith.constant 0 : i32
        %dma_wait3A_130 = arith.constant 0 : i32
        %dma_wait3A_131 = tpu.memref_slice %arg4[%dma_wait3A_129, %dma_wait3A_130] : memref<1000000x128xf32, #tpu.memory_space<hbm>> -> memref<128x128xf32, #tpu.memory_space<hbm>>
        tpu.wait_dma2 semaphore(%arg12 : memref<!tpu.dma_semaphore, #tpu.memory_space<semaphore_mem>>) src(%arg8 : memref<128x128xf32, #tpu.memory_space<vmem>>) dst(%dma_wait3A_131 : memref<128x128xf32, #tpu.memory_space<hbm>>)
      } else {
      }
      %parallel_loop3A_103 = arith.constant 0 : i32
      %parallel_loop3A_104 = arith.constant 128 : i32
      %parallel_loop3A_105 = arith.constant 1 : i32
      scf.for %parallel_loop3A_126 = %parallel_loop3A_103 to %parallel_loop3A_104 step %parallel_loop3A_105  : i32 {
        %parallel_loop3A_127 = vector.broadcast %parallel_loop3A_126 : i32 to vector<16xi32>
        %parallel_loop3A_128 = arith.constant 0 : i32
        %parallel_loop3A_129 = vector.broadcast %parallel_loop3A_128 : i32 to vector<16xi32>
        %parallel_loop3A_130 = arith.addi %iota3A, %parallel_loop3A_129 : vector<16xi32>
        %parallel_loop3A_131 = tpu.vector_load_idx %arg6[%parallel_loop3A_130, %parallel_loop3A_127] : memref<64x128xf32, #tpu.memory_space<vmem>>[vector<16xi32>, vector<16xi32>], vector<16xf32>,
        %parallel_loop3A_132 = arith.index_cast %parallel_loop3A_126 : i32 to index
        %parallel_loop3A_133 = arith.constant 0 : index
        %parallel_loop3A_134 = tpu.vector_load %arg8[%parallel_loop3A_132, %parallel_loop3A_133] {strides = array<i32>} : memref<128x128xf32, #tpu.memory_space<vmem>>, vector<16xf32>,
        tpu.vector_store %arg8[%parallel_loop3A_132, %parallel_loop3A_133], %parallel_loop3A_131 {strides = array<i32>} : memref<128x128xf32, #tpu.memory_space<vmem>>, vector<16xf32>,
        %parallel_loop3A_135 = arith.constant 16 : i32
        %parallel_loop3A_136 = vector.broadcast %parallel_loop3A_135 : i32 to vector<16xi32>
        %parallel_loop3A_137 = arith.addi %iota3A, %parallel_loop3A_136 : vector<16xi32>
        %parallel_loop3A_138 = tpu.vector_load_idx %arg6[%parallel_loop3A_137, %parallel_loop3A_127] : memref<64x128xf32, #tpu.memory_space<vmem>>[vector<16xi32>, vector<16xi32>], vector<16xf32>,
        %parallel_loop3A_139 = arith.index_cast %parallel_loop3A_126 : i32 to index
        %parallel_loop3A_140 = arith.constant 16 : index
        %parallel_loop3A_141 = tpu.vector_load %arg8[%parallel_loop3A_139, %parallel_loop3A_140] {strides = array<i32>} : memref<128x128xf32, #tpu.memory_space<vmem>>, vector<16xf32>,
        tpu.vector_store %arg8[%parallel_loop3A_139, %parallel_loop3A_140], %parallel_loop3A_138 {strides = array<i32>} : memref<128x128xf32, #tpu.memory_space<vmem>>, vector<16xf32>,
        %parallel_loop3A_142 = arith.constant 32 : i32
        %parallel_loop3A_143 = vector.broadcast %parallel_loop3A_142 : i32 to vector<16xi32>
        %parallel_loop3A_144 = arith.addi %iota3A, %parallel_loop3A_143 : vector<16xi32>
        %parallel_loop3A_145 = tpu.vector_load_idx %arg6[%parallel_loop3A_144, %parallel_loop3A_127] : memref<64x128xf32, #tpu.memory_space<vmem>>[vector<16xi32>, vector<16xi32>], vector<16xf32>,
        %parallel_loop3A_146 = arith.index_cast %parallel_loop3A_126 : i32 to index
        %parallel_loop3A_147 = arith.constant 32 : index
        %parallel_loop3A_148 = tpu.vector_load %arg8[%parallel_loop3A_146, %parallel_loop3A_147] {strides = array<i32>} : memref<128x128xf32, #tpu.memory_space<vmem>>, vector<16xf32>,
        tpu.vector_store %arg8[%parallel_loop3A_146, %parallel_loop3A_147], %parallel_loop3A_145 {strides = array<i32>} : memref<128x128xf32, #tpu.memory_space<vmem>>, vector<16xf32>,
        %parallel_loop3A_149 = arith.constant 48 : i32
        %parallel_loop3A_150 = vector.broadcast %parallel_loop3A_149 : i32 to vector<16xi32>
        %parallel_loop3A_151 = arith.addi %iota3A, %parallel_loop3A_150 : vector<16xi32>
        %parallel_loop3A_152 = tpu.vector_load_idx %arg6[%parallel_loop3A_151, %parallel_loop3A_127] : memref<64x128xf32, #tpu.memory_space<vmem>>[vector<16xi32>, vector<16xi32>], vector<16xf32>,
        %parallel_loop3A_153 = arith.index_cast %parallel_loop3A_126 : i32 to index
        %parallel_loop3A_154 = arith.constant 48 : index
        %parallel_loop3A_155 = tpu.vector_load %arg8[%parallel_loop3A_153, %parallel_loop3A_154] {strides = array<i32>} : memref<128x128xf32, #tpu.memory_space<vmem>>, vector<16xf32>,
        tpu.vector_store %arg8[%parallel_loop3A_153, %parallel_loop3A_154], %parallel_loop3A_152 {strides = array<i32>} : memref<128x128xf32, #tpu.memory_space<vmem>>, vector<16xf32>,
      } {sc.loop_unroll_factor = 2 : i64, sc.parallel_access}
      %lt3A_106 = arith.constant 244 : i32
      %lt3A_107 = arith.cmpi slt, %add3A_91, %lt3A_106 : i32
      %mul3A_108 = arith.constant 244 : i32
      %mul3A_109 = arith.muli %add3A, %mul3A_108 : i32
      %add3A_110 = arith.addi %mul3A_109, %add3A_91 : i32
      %add3A_111 = arith.constant 7808 : i32
      %add3A_112 = arith.addi %add3A_111, %add3A : i32
      %select_n3A_113 = arith.select %lt3A_107, %add3A_110, %add3A_112 : i32
      %mul3A_114 = arith.constant 128 : i32
      %mul3A_115 = arith.muli %select_n3A_113, %mul3A_114 : i32
      %dma_start3A_116 = arith.constant 0 : i32
      %dma_start3A_117 = tpu.memref_slice %arg4[%mul3A_115, %dma_start3A_116] : memref<1000000x128xf32, #tpu.memory_space<hbm>> -> memref<128x128xf32, #tpu.memory_space<hbm>>
      %dma_start3A_118 = arith.constant 0 : i32
      %dma_start3A_119 = tpu.memref_slice %arg4[%mul3A_115, %dma_start3A_118] : memref<1000000x128xf32, #tpu.memory_space<hbm>> -> memref<128x128xf32, #tpu.memory_space<hbm>>
      tpu.enqueue_dma source(%arg8 : memref<128x128xf32, #tpu.memory_space<vmem>>) target(%dma_start3A_119 : memref<128x128xf32, #tpu.memory_space<hbm>>) target_semaphore(%arg12 : memref<!tpu.dma_semaphore, #tpu.memory_space<semaphore_mem>>)
      %add3A_120 = arith.constant 2 : i32
      %add3A_121 = arith.addi %add3A_91, %add3A_120 : i32
      %lt3A_122 = arith.cmpi slt, %add3A_121, %select_n3A : i32
      %convert_element_type3A_123 = arith.extui %lt3A_122 : i1 to i32
      %cond3A_124 = arith.constant 0 : i32
      %cond3A_125 = arith.cmpi ne, %convert_element_type3A_123, %cond3A_124 : i32
      scf.if %cond3A_125 {
        %add3A_126 = arith.constant 2 : i32
        %add3A_127 = arith.addi %add3A_91, %add3A_126 : i32
        %lt3A_128 = arith.constant 244 : i32
        %lt3A_129 = arith.cmpi slt, %add3A_127, %lt3A_128 : i32
        %mul3A_130 = arith.constant 244 : i32
        %mul3A_131 = arith.muli %add3A, %mul3A_130 : i32
        %add3A_132 = arith.addi %mul3A_131, %add3A_127 : i32
        %add3A_133 = arith.constant 7808 : i32
        %add3A_134 = arith.addi %add3A_133, %add3A : i32
        %select_n3A_135 = arith.select %lt3A_129, %add3A_132, %add3A_134 : i32
        %mul3A_136 = arith.constant 128 : i32
        %mul3A_137 = arith.muli %select_n3A_135, %mul3A_136 : i32
        %dma_start3A_138 = arith.constant 0 : i32
        %dma_start3A_139 = tpu.memref_slice %arg2[%dma_start3A_138, %mul3A_137] : memref<64x1000000xf32, #tpu.memory_space<hbm>> -> memref<64x128xf32, #tpu.memory_space<hbm>>
        %dma_start3A_140 = arith.constant 0 : i32
        %dma_start3A_141 = tpu.memref_slice %arg2[%dma_start3A_140, %mul3A_137] : memref<64x1000000xf32, #tpu.memory_space<hbm>> -> memref<64x128xf32, #tpu.memory_space<hbm>>
        tpu.enqueue_dma source(%dma_start3A_141 : memref<64x128xf32, #tpu.memory_space<hbm>>) target(%arg6 : memref<64x128xf32, #tpu.memory_space<vmem>>) target_semaphore(%arg10 : memref<!tpu.dma_semaphore, #tpu.memory_space<semaphore_mem>>)
      } else {
      }
    }
    %scan3A_34 = arith.constant 122 : i32
    %lt3A_35 = arith.constant 4 : i32
    %lt3A_36 = arith.cmpi slt, %add3A, %lt3A_35 : i32
    %convert_element_type3A = arith.extui %lt3A_36 : i1 to i32
    %cond3A = arith.constant 0 : i32
    %cond3A_37 = arith.cmpi ne, %convert_element_type3A, %cond3A : i32
    scf.if %cond3A_37 {
      %dma_wait3A_53 = arith.constant 0 : i32
      %dma_wait3A_54 = arith.constant 0 : i32
      %dma_wait3A_55 = tpu.memref_slice %arg2[%dma_wait3A_53, %dma_wait3A_54] : memref<64x1000000xf32, #tpu.memory_space<hbm>> -> memref<64x128xf32, #tpu.memory_space<hbm>>
      %dma_wait3A_56 = arith.constant 0 : i32
      %dma_wait3A_57 = arith.constant 0 : i32
      %dma_wait3A_58 = tpu.memref_slice %arg2[%dma_wait3A_56, %dma_wait3A_57] : memref<64x1000000xf32, #tpu.memory_space<hbm>> -> memref<64x128xf32, #tpu.memory_space<hbm>>
      tpu.wait_dma2 semaphore(%arg9 : memref<!tpu.dma_semaphore, #tpu.memory_space<semaphore_mem>>) src(%dma_wait3A_58 : memref<64x128xf32, #tpu.memory_space<hbm>>) dst(%arg5 : memref<64x128xf32, #tpu.memory_space<vmem>>)
      %dma_wait3A_59 = arith.constant 0 : i32
      %dma_wait3A_60 = arith.constant 0 : i32
      %dma_wait3A_61 = tpu.memref_slice %arg4[%dma_wait3A_59, %dma_wait3A_60] : memref<1000000x128xf32, #tpu.memory_space<hbm>> -> memref<128x128xf32, #tpu.memory_space<hbm>>
      %dma_wait3A_62 = arith.constant 0 : i32
      %dma_wait3A_63 = arith.constant 0 : i32
      %dma_wait3A_64 = tpu.memref_slice %arg4[%dma_wait3A_62, %dma_wait3A_63] : memref<1000000x128xf32, #tpu.memory_space<hbm>> -> memref<128x128xf32, #tpu.memory_space<hbm>>
      tpu.wait_dma2 semaphore(%arg11 : memref<!tpu.dma_semaphore, #tpu.memory_space<semaphore_mem>>) src(%arg7 : memref<128x128xf32, #tpu.memory_space<vmem>>) dst(%dma_wait3A_64 : memref<128x128xf32, #tpu.memory_space<hbm>>)
      %parallel_loop3A = arith.constant 0 : i32
      %parallel_loop3A_65 = arith.constant 128 : i32
      %parallel_loop3A_66 = arith.constant 1 : i32
      scf.for %parallel_loop3A_85 = %parallel_loop3A to %parallel_loop3A_65 step %parallel_loop3A_66  : i32 {
        %parallel_loop3A_86 = vector.broadcast %parallel_loop3A_85 : i32 to vector<16xi32>
        %parallel_loop3A_87 = arith.constant 0 : i32
        %parallel_loop3A_88 = vector.broadcast %parallel_loop3A_87 : i32 to vector<16xi32>
        %parallel_loop3A_89 = arith.addi %iota3A, %parallel_loop3A_88 : vector<16xi32>
        %parallel_loop3A_90 = tpu.vector_load_idx %arg5[%parallel_loop3A_89, %parallel_loop3A_86] : memref<64x128xf32, #tpu.memory_space<vmem>>[vector<16xi32>, vector<16xi32>], vector<16xf32>,
        %parallel_loop3A_91 = arith.index_cast %parallel_loop3A_85 : i32 to index
        %parallel_loop3A_92 = arith.constant 0 : index
        %parallel_loop3A_93 = tpu.vector_load %arg7[%parallel_loop3A_91, %parallel_loop3A_92] {strides = array<i32>} : memref<128x128xf32, #tpu.memory_space<vmem>>, vector<16xf32>,
        tpu.vector_store %arg7[%parallel_loop3A_91, %parallel_loop3A_92], %parallel_loop3A_90 {strides = array<i32>} : memref<128x128xf32, #tpu.memory_space<vmem>>, vector<16xf32>,
        %parallel_loop3A_94 = arith.constant 16 : i32
        %parallel_loop3A_95 = vector.broadcast %parallel_loop3A_94 : i32 to vector<16xi32>
        %parallel_loop3A_96 = arith.addi %iota3A, %parallel_loop3A_95 : vector<16xi32>
        %parallel_loop3A_97 = tpu.vector_load_idx %arg5[%parallel_loop3A_96, %parallel_loop3A_86] : memref<64x128xf32, #tpu.memory_space<vmem>>[vector<16xi32>, vector<16xi32>], vector<16xf32>,
        %parallel_loop3A_98 = arith.index_cast %parallel_loop3A_85 : i32 to index
        %parallel_loop3A_99 = arith.constant 16 : index
        %parallel_loop3A_100 = tpu.vector_load %arg7[%parallel_loop3A_98, %parallel_loop3A_99] {strides = array<i32>} : memref<128x128xf32, #tpu.memory_space<vmem>>, vector<16xf32>,
        tpu.vector_store %arg7[%parallel_loop3A_98, %parallel_loop3A_99], %parallel_loop3A_97 {strides = array<i32>} : memref<128x128xf32, #tpu.memory_space<vmem>>, vector<16xf32>,
        %parallel_loop3A_101 = arith.constant 32 : i32
        %parallel_loop3A_102 = vector.broadcast %parallel_loop3A_101 : i32 to vector<16xi32>
        %parallel_loop3A_103 = arith.addi %iota3A, %parallel_loop3A_102 : vector<16xi32>
        %parallel_loop3A_104 = tpu.vector_load_idx %arg5[%parallel_loop3A_103, %parallel_loop3A_86] : memref<64x128xf32, #tpu.memory_space<vmem>>[vector<16xi32>, vector<16xi32>], vector<16xf32>,
        %parallel_loop3A_105 = arith.index_cast %parallel_loop3A_85 : i32 to index
        %parallel_loop3A_106 = arith.constant 32 : index
        %parallel_loop3A_107 = tpu.vector_load %arg7[%parallel_loop3A_105, %parallel_loop3A_106] {strides = array<i32>} : memref<128x128xf32, #tpu.memory_space<vmem>>, vector<16xf32>,
        tpu.vector_store %arg7[%parallel_loop3A_105, %parallel_loop3A_106], %parallel_loop3A_104 {strides = array<i32>} : memref<128x128xf32, #tpu.memory_space<vmem>>, vector<16xf32>,
        %parallel_loop3A_108 = arith.constant 48 : i32
        %parallel_loop3A_109 = vector.broadcast %parallel_loop3A_108 : i32 to vector<16xi32>
        %parallel_loop3A_110 = arith.addi %iota3A, %parallel_loop3A_109 : vector<16xi32>
        %parallel_loop3A_111 = tpu.vector_load_idx %arg5[%parallel_loop3A_110, %parallel_loop3A_86] : memref<64x128xf32, #tpu.memory_space<vmem>>[vector<16xi32>, vector<16xi32>], vector<16xf32>,
        %parallel_loop3A_112 = arith.index_cast %parallel_loop3A_85 : i32 to index
        %parallel_loop3A_113 = arith.constant 48 : index
        %parallel_loop3A_114 = tpu.vector_load %arg7[%parallel_loop3A_112, %parallel_loop3A_113] {strides = array<i32>} : memref<128x128xf32, #tpu.memory_space<vmem>>, vector<16xf32>,
        tpu.vector_store %arg7[%parallel_loop3A_112, %parallel_loop3A_113], %parallel_loop3A_111 {strides = array<i32>} : memref<128x128xf32, #tpu.memory_space<vmem>>, vector<16xf32>,
      } {sc.loop_unroll_factor = 2 : i64, sc.parallel_access}
      %mul3A_67 = arith.constant 244 : i32
      %mul3A_68 = arith.muli %add3A, %mul3A_67 : i32
      %add3A_69 = arith.constant 244 : i32
      %add3A_70 = arith.addi %mul3A_68, %add3A_69 : i32
      %add3A_71 = arith.constant 7808 : i32
      %add3A_72 = arith.addi %add3A_71, %add3A : i32
      %jit3A_73 = arith.constant false
      %select_n3A_74 = arith.select %jit3A_73, %add3A_70, %add3A_72 : i32
      %mul3A_75 = arith.constant 128 : i32
      %mul3A_76 = arith.muli %select_n3A_74, %mul3A_75 : i32
      %dma_start3A_77 = arith.constant 0 : i32
      %dma_start3A_78 = tpu.memref_slice %arg4[%mul3A_76, %dma_start3A_77] : memref<1000000x128xf32, #tpu.memory_space<hbm>> -> memref<128x128xf32, #tpu.memory_space<hbm>>
      %dma_start3A_79 = arith.constant 0 : i32
      %dma_start3A_80 = tpu.memref_slice %arg4[%mul3A_76, %dma_start3A_79] : memref<1000000x128xf32, #tpu.memory_space<hbm>> -> memref<128x128xf32, #tpu.memory_space<hbm>>
      tpu.enqueue_dma source(%arg7 : memref<128x128xf32, #tpu.memory_space<vmem>>) target(%dma_start3A_80 : memref<128x128xf32, #tpu.memory_space<hbm>>) target_semaphore(%arg11 : memref<!tpu.dma_semaphore, #tpu.memory_space<semaphore_mem>>)
      %gt3A = arith.constant 246 : i32
      %gt3A_81 = arith.cmpi sgt, %select_n3A, %gt3A : i32
      %convert_element_type3A_82 = arith.extui %gt3A_81 : i1 to i32
      %cond3A_83 = arith.constant 0 : i32
      %cond3A_84 = arith.cmpi ne, %convert_element_type3A_82, %cond3A_83 : i32
      scf.if %cond3A_84 {
        %mul3A_85 = arith.constant 244 : i32
        %mul3A_86 = arith.muli %add3A, %mul3A_85 : i32
        %add3A_87 = arith.constant 246 : i32
        %add3A_88 = arith.addi %mul3A_86, %add3A_87 : i32
        %add3A_89 = arith.constant 7808 : i32
        %add3A_90 = arith.addi %add3A_89, %add3A : i32
        %jit3A_91 = arith.constant false
        %select_n3A_92 = arith.select %jit3A_91, %add3A_88, %add3A_90 : i32
        %mul3A_93 = arith.constant 128 : i32
        %mul3A_94 = arith.muli %select_n3A_92, %mul3A_93 : i32
        %dma_start3A_95 = arith.constant 0 : i32
        %dma_start3A_96 = tpu.memref_slice %arg2[%dma_start3A_95, %mul3A_94] : memref<64x1000000xf32, #tpu.memory_space<hbm>> -> memref<64x128xf32, #tpu.memory_space<hbm>>
        %dma_start3A_97 = arith.constant 0 : i32
        %dma_start3A_98 = tpu.memref_slice %arg2[%dma_start3A_97, %mul3A_94] : memref<64x1000000xf32, #tpu.memory_space<hbm>> -> memref<64x128xf32, #tpu.memory_space<hbm>>
        tpu.enqueue_dma source(%dma_start3A_98 : memref<64x128xf32, #tpu.memory_space<hbm>>) target(%arg5 : memref<64x128xf32, #tpu.memory_space<vmem>>) target_semaphore(%arg9 : memref<!tpu.dma_semaphore, #tpu.memory_space<semaphore_mem>>)
      } else {
      }
    } else {
    }
    %dma_wait3A = arith.constant 0 : i32
    %dma_wait3A_38 = arith.constant 0 : i32
    %dma_wait3A_39 = tpu.memref_slice %arg4[%dma_wait3A, %dma_wait3A_38] : memref<1000000x128xf32, #tpu.memory_space<hbm>> -> memref<128x128xf32, #tpu.memory_space<hbm>>
    %dma_wait3A_40 = arith.constant 0 : i32
    %dma_wait3A_41 = arith.constant 0 : i32
    %dma_wait3A_42 = tpu.memref_slice %arg4[%dma_wait3A_40, %dma_wait3A_41] : memref<1000000x128xf32, #tpu.memory_space<hbm>> -> memref<128x128xf32, #tpu.memory_space<hbm>>
    tpu.wait_dma2 semaphore(%arg11 : memref<!tpu.dma_semaphore, #tpu.memory_space<semaphore_mem>>) src(%arg7 : memref<128x128xf32, #tpu.memory_space<vmem>>) dst(%dma_wait3A_42 : memref<128x128xf32, #tpu.memory_space<hbm>>)
    %dma_wait3A_43 = arith.constant 0 : i32
    %dma_wait3A_44 = arith.constant 0 : i32
    %dma_wait3A_45 = tpu.memref_slice %arg4[%dma_wait3A_43, %dma_wait3A_44] : memref<1000000x128xf32, #tpu.memory_space<hbm>> -> memref<128x128xf32, #tpu.memory_space<hbm>>
    %dma_wait3A_46 = arith.constant 0 : i32
    %dma_wait3A_47 = arith.constant 0 : i32
    %dma_wait3A_48 = tpu.memref_slice %arg4[%dma_wait3A_46, %dma_wait3A_47] : memref<1000000x128xf32, #tpu.memory_space<hbm>> -> memref<128x128xf32, #tpu.memory_space<hbm>>
    tpu.wait_dma2 semaphore(%arg12 : memref<!tpu.dma_semaphore, #tpu.memory_space<semaphore_mem>>) src(%arg8 : memref<128x128xf32, #tpu.memory_space<vmem>>) dst(%dma_wait3A_48 : memref<128x128xf32, #tpu.memory_space<hbm>>)
    %eq3A = arith.constant 31 : i32
    %eq3A_49 = arith.cmpi eq, %add3A, %eq3A : i32
    %convert_element_type3A_50 = arith.extui %eq3A_49 : i1 to i32
    %cond3A_51 = arith.constant 0 : i32
    %cond3A_52 = arith.cmpi ne, %convert_element_type3A_50, %cond3A_51 : i32
    scf.if %cond3A_52 {
      "tpu.region"() ({
        %run_scoped3A = tpu.sem_alloc : memref<!tpu.dma_semaphore, #tpu.memory_space<semaphore_mem>>
        %dma_start3A_77 = arith.constant 0 : i32
        %dma_start3A_78 = arith.constant 0 : i32
        %dma_start3A_79 = tpu.memref_slice %arg7[%dma_start3A_77, %dma_start3A_78] : memref<128x128xf32, #tpu.memory_space<vmem>> -> memref<64x128xf32, #tpu.memory_space<vmem>>
        %dma_start3A_80 = arith.constant 0 : i32
        %dma_start3A_81 = arith.constant 0 : i32
        %dma_start3A_82 = tpu.memref_slice %arg7[%dma_start3A_80, %dma_start3A_81] : memref<128x128xf32, #tpu.memory_space<vmem>> -> memref<64x128xf32, #tpu.memory_space<vmem>>
        tpu.enqueue_dma source(%arg3 : memref<64x128xf32, #tpu.memory_space<hbm>>) target(%dma_start3A_82 : memref<64x128xf32, #tpu.memory_space<vmem>>) target_semaphore(%run_scoped3A : memref<!tpu.dma_semaphore, #tpu.memory_space<semaphore_mem>>)
        %dma_wait3A_83 = arith.constant 0 : i32
        %dma_wait3A_84 = arith.constant 0 : i32
        %dma_wait3A_85 = tpu.memref_slice %arg7[%dma_wait3A_83, %dma_wait3A_84] : memref<128x128xf32, #tpu.memory_space<vmem>> -> memref<64x128xf32, #tpu.memory_space<vmem>>
        %dma_wait3A_86 = arith.constant 0 : i32
        %dma_wait3A_87 = arith.constant 0 : i32
        %dma_wait3A_88 = tpu.memref_slice %arg7[%dma_wait3A_86, %dma_wait3A_87] : memref<128x128xf32, #tpu.memory_space<vmem>> -> memref<64x128xf32, #tpu.memory_space<vmem>>
        tpu.wait_dma2 semaphore(%run_scoped3A : memref<!tpu.dma_semaphore, #tpu.memory_space<semaphore_mem>>) src(%arg3 : memref<64x128xf32, #tpu.memory_space<hbm>>) dst(%dma_wait3A_88 : memref<64x128xf32, #tpu.memory_space<vmem>>)
        tpu.yield
      }) : () -> ()
      %dma_start3A_53 = arith.constant 0 : i32
      %dma_start3A_54 = arith.constant 0 : i32
      %dma_start3A_55 = tpu.memref_slice %arg7[%dma_start3A_53, %dma_start3A_54] : memref<128x128xf32, #tpu.memory_space<vmem>> -> memref<64x128xf32, #tpu.memory_space<vmem>>
      %dma_start3A_56 = arith.constant 999936 : i32
      %dma_start3A_57 = arith.constant 0 : i32
      %dma_start3A_58 = tpu.memref_slice %arg4[%dma_start3A_56, %dma_start3A_57] : memref<1000000x128xf32, #tpu.memory_space<hbm>> -> memref<64x128xf32, #tpu.memory_space<hbm>>
      %dma_start3A_59 = arith.constant 999936 : i32
      %dma_start3A_60 = arith.constant 0 : i32
      %dma_start3A_61 = tpu.memref_slice %arg4[%dma_start3A_59, %dma_start3A_60] : memref<1000000x128xf32, #tpu.memory_space<hbm>> -> memref<64x128xf32, #tpu.memory_space<hbm>>
      %dma_start3A_62 = arith.constant 0 : i32
      %dma_start3A_63 = arith.constant 0 : i32
      %dma_start3A_64 = tpu.memref_slice %arg7[%dma_start3A_62, %dma_start3A_63] : memref<128x128xf32, #tpu.memory_space<vmem>> -> memref<64x128xf32, #tpu.memory_space<vmem>>
      tpu.enqueue_dma source(%dma_start3A_64 : memref<64x128xf32, #tpu.memory_space<vmem>>) target(%dma_start3A_61 : memref<64x128xf32, #tpu.memory_space<hbm>>) target_semaphore(%arg11 : memref<!tpu.dma_semaphore, #tpu.memory_space<semaphore_mem>>)
      %dma_wait3A_65 = arith.constant 0 : i32
      %dma_wait3A_66 = arith.constant 0 : i32
      %dma_wait3A_67 = tpu.memref_slice %arg7[%dma_wait3A_65, %dma_wait3A_66] : memref<128x128xf32, #tpu.memory_space<vmem>> -> memref<64x128xf32, #tpu.memory_space<vmem>>
      %dma_wait3A_68 = arith.constant 0 : i32
      %dma_wait3A_69 = arith.constant 0 : i32
      %dma_wait3A_70 = tpu.memref_slice %arg4[%dma_wait3A_68, %dma_wait3A_69] : memref<1000000x128xf32, #tpu.memory_space<hbm>> -> memref<64x128xf32, #tpu.memory_space<hbm>>
      %dma_wait3A_71 = arith.constant 0 : i32
      %dma_wait3A_72 = arith.constant 0 : i32
      %dma_wait3A_73 = tpu.memref_slice %arg4[%dma_wait3A_71, %dma_wait3A_72] : memref<1000000x128xf32, #tpu.memory_space<hbm>> -> memref<64x128xf32, #tpu.memory_space<hbm>>
      %dma_wait3A_74 = arith.constant 0 : i32
      %dma_wait3A_75 = arith.constant 0 : i32
      %dma_wait3A_76 = tpu.memref_slice %arg7[%dma_wait3A_74, %dma_wait3A_75] : memref<128x128xf32, #tpu.memory_space<vmem>> -> memref<64x128xf32, #tpu.memory_space<vmem>>
      tpu.wait_dma2 semaphore(%arg11 : memref<!tpu.dma_semaphore, #tpu.memory_space<semaphore_mem>>) src(%dma_wait3A_76 : memref<64x128xf32, #tpu.memory_space<vmem>>) dst(%dma_wait3A_73 : memref<64x128xf32, #tpu.memory_space<hbm>>)
    } else {
    }
    return
  }
}

</mosaic_0001>

<sc_bundles>
// kernel: _sc_stage.3.cloned.1.call-start
scs
__scs_entry_jumppad:
0x0: {  	(pc) =	sbr.rel $0x88, $3  }
0x1: {  	(tag) =	ssettag $0x0;
	lr =	simm.s32 $0x1  }
0x2: {  	[smem:$0x3F9F] =	sst lr;
	_ =	strace $0xD0000000  }
0x3: {  	_ = 	snop  }
0x4: {  	_ = 	snop  }
0x5: {  	_ = 	snop  }
0x6: {  	_ = 	snop  }
0x7: {  	_ = 	snop  }
__scs_overlays_trampoline_lowered:
0x8: {  	[smem:$0x3FAE] =	sst s0  }
0x9: {  	[smem:$0x3FAF] =	sst s1  }
0xa: {  	[smem:$0x3FB0] =	sst s2  }
0xb: {  	[smem:$0x3FB1] =	sst s3  }
0xc: {  	[smem:$0x3FB2] =	sst s4  }
0xd: {  	[smem:$0x3FB3] =	sst s5  }
0xe: {  	[smem:$0x3FB4] =	sst s6  }
0xf: {  	[smem:$0x3FB5] =	sst s7  }
0x10: {  	[smem:$0x3FB6] =	sst s8  }
0x11: {  	[smem:$0x3FB7] =	sst s9;
	s0 =	simm.s32 @!p0 $0x0  }
0x12: {  	s1 =	sld [smem:$0x3F9D];
	s0 =	simm.s32 @p0 $0x1  }
0x13: {  	[smem:$0x3FB8] =	sst s0;
	s0 =	simm.s32 @!p1 $0x0  }
0x14: {  	s2 =	sld [smem:$0x3F9C];
	s0 =	simm.s32 @p1 $0x1  }
0x15: {  	[smem:$0x3FB9] =	sst s0;
	s0 =	simm.s32 @!p2 $0x0  }
0x16: {  	s3 =	sld [smem:$0x3FDB];
	s0 =	simm.s32 @p2 $0x1  }
0x17: {  	s4 =	simm.s32 $0x1BF5;
	[smem:$0x3FBB] =	sst s0  }
0x18: {  	s0 =	sld [smem:$0x3F9E];
	_ =	swait.ge [sflag:s4], $0x0  }
0x19: {  	s7 =	sld [smem:$0x3F9F]  }
0x1a: {  	s8 =	sadd.s32 $0xFFFFE003, lr  }
0x1b: {  	s9 =	sadd.s32 $0xFFFFFEF7, lr;
	s5 =	simm.s32 $0xFFFFFFFF;
	p2 =	slt.u32 s8, $0xFFFFF086  }
0x1c: {  	p1 =	slt.u32 s9, $0xF7A;
	s5 =	simm.s32 @!p2 $0x0  }
0x1d: {  	s5 =	simm.s32 @p1 $0x1;
	p0 =	seq.s32 s7, s2  }
0x1e: {  	s7 =	smul.u32 @!p0 $0xF7A, s2;
	p2 =	seq.s32 @!p0 s5, $0x0  }
0x1f: {  	s9 =	smul.u32 $0xF7A, s1;
	s8 =	simm.s32 @!p0 $0x1BF5;
	p2 =	por !p2, p0  }
0x20: {  	[sflag:s8] =	ssyncset.s32 @!p0 $0xFFFFF086;
	s6 =	sadd.s32 @!p0 s3, s7;
	s7 =	simm.s32 @!p0 $0x108  }
0x21: {  	s3 =	sadd.s32 s3, s9;
	s6 =	sadd.s32 @!p0 $0x88, s6;
	s7 =	simm.s32 @p2 $0x1082  }
0x22: {  	[simem:s7], [sflag:s8] =	dma.local @!p0 [hbm:s6], $0xF7A  }
0x23: {  	s9 =	sor.u32 $0xD0000000, s2;
	s6 =	simm.s32 $0x108;
	_ =	swait.ge @!p0 [sflag:s8], $0x0  }
0x24: {  	s3 =	sadd.s32 $0x88, s3;
	s6 =	simm.s32 @!p1 $0x1082;
	[sflag:s4] =	ssyncset.s32 $0xFFFFF086  }
0x25: {  	[simem:s6], [sflag:s4] =	dma.local [hbm:s3], $0xF7A  }
0x26: {  	[smem:$0x3F9F] =	sst s1;
	(tag) =	ssettag s2;
	_ =	strace s9  }
0x27: {  	s1 =	sld [smem:$0x3FAF]  }
0x28: {  	s2 =	sld [smem:$0x3FB0]  }
0x29: {  	s4 =	sld [smem:$0x3FB2]  }
0x2a: {  	p0 =	seq.s32 s5, $0x0;
	s5 =	sld [smem:$0x3FB3]  }
0x2b: {  	s6 =	sld [smem:$0x3FB4]  }
0x2c: {  	s7 =	sld [smem:$0x3FB5]  }
0x2d: {  	s3 =	simm.s32 $0x108;
	s8 =	sld [smem:$0x3FB6]  }
0x2e: {  	s3 =	simm.s32 @!p0 $0x1082;
	s9 =	sld [smem:$0x3FB7]  }
0x2f: {  	lr =	sadd.s32 s0, s3;
	s0 =	sld [smem:$0x3FAE]  }
0x30: {  	s3 =	sld [smem:$0x3FB1]  }
0x31: {  	[smem:$0x3FBA] =	sst s10  }
0x32: {  	s10 =	sld [smem:$0x3FB8];
	_ =	sdelay $0x3  }
0x33: {  	p0 =	seq.s32 s10, $0x1;
	s10 =	sld [smem:$0x3FBA];
	_ =	sdelay $0x3  }
0x34: {  	[smem:$0x3FBA] =	sst s10  }
0x35: {  	s10 =	sld [smem:$0x3FB9];
	_ =	sdelay $0x3  }
0x36: {  	p1 =	seq.s32 s10, $0x1;
	s10 =	sld [smem:$0x3FBA];
	_ =	sdelay $0x3  }
0x37: {  	[smem:$0x3FBA] =	sst s10  }
0x38: {  	s10 =	sld [smem:$0x3FBB]  }
0x39: {  	_ = 	snop;
	(pc) =	sbr.ind lr, $3  }
0x3a: {  	_ = 	snop  }
0x3b: {  	_ = 	snop  }
0x3c: {  	p2 =	seq.s32 s10, $0x1;
	s10 =	sld [smem:$0x3FBA]  }
0x3d: {  	_ =	shalt  }
0x3e: {  	_ =	shalt  }
0x3f: {  	_ =	shalt  }
0x40: {  	_ =	shalt  }
0x41: {  	_ =	shalt  }
0x42: {  	_ =	shalt  }
0x43: {  	_ =	shalt  }
0x44: {  	_ =	shalt  }
0x45: {  	_ =	shalt  }
0x46: {  	_ =	shalt  }
0x47: {  	_ =	shalt  }
0x48: {  	_ =	shalt  }
0x49: {  	_ =	shalt  }
0x4a: {  	_ =	shalt  }
0x4b: {  	_ =	shalt  }
0x4c: {  	_ =	shalt  }
0x4d: {  	_ =	shalt  }
0x4e: {  	_ =	shalt  }
0x4f: {  	_ =	shalt  }
0x50: {  	_ =	shalt  }
0x51: {  	_ =	shalt  }
0x52: {  	_ =	shalt  }
0x53: {  	_ =	shalt  }
0x54: {  	_ =	shalt  }
0x55: {  	_ =	shalt  }
0x56: {  	_ =	shalt  }
0x57: {  	_ =	shalt  }
0x58: {  	_ =	shalt  }
0x59: {  	_ =	shalt  }
0x5a: {  	_ =	shalt  }
0x5b: {  	_ =	shalt  }
0x5c: {  	_ =	shalt  }
0x5d: {  	_ =	shalt  }
0x5e: {  	_ =	shalt  }
0x5f: {  	_ =	shalt  }
0x60: {  	_ =	shalt  }
0x61: {  	_ =	shalt  }
0x62: {  	_ =	shalt  }
0x63: {  	_ =	shalt  }
0x64: {  	_ =	shalt  }
0x65: {  	_ =	shalt  }
0x66: {  	_ =	shalt  }
0x67: {  	_ =	shalt  }
0x68: {  	_ =	shalt  }
0x69: {  	_ =	shalt  }
0x6a: {  	_ =	shalt  }
0x6b: {  	_ =	shalt  }
0x6c: {  	_ =	shalt  }
0x6d: {  	_ =	shalt  }
0x6e: {  	_ =	shalt  }
0x6f: {  	_ =	shalt  }
0x70: {  	_ =	shalt  }
0x71: {  	_ =	shalt  }
0x72: {  	_ =	shalt  }
0x73: {  	_ =	shalt  }
0x74: {  	_ =	shalt  }
0x75: {  	_ =	shalt  }
0x76: {  	_ =	shalt  }
0x77: {  	_ =	shalt  }
0x78: {  	_ =	shalt  }
0x79: {  	_ =	shalt  }
0x7a: {  	_ =	shalt  }
0x7b: {  	_ =	shalt  }
0x7c: {  	_ =	shalt  }
0x7d: {  	_ =	shalt  }
0x7e: {  	_ =	shalt  }
0x7f: {  	_ =	shalt  }
0x80: {  	_ =	shalt  }
0x81: {  	_ =	shalt  }
0x82: {  	_ =	shalt  }
0x83: {  	_ =	shalt  }
0x84: {  	_ =	shalt  }
0x85: {  	_ =	shalt  }
0x86: {  	_ =	shalt  }
0x87: {  	_ =	shalt  }
.Lfunc_end0:
.L_simem_size_0:
called_computation_lowered:
.L_overlay_start_0:
0x88: {  	s2 =	sld [smem:$0x3FD9]  }
0x89: {  	s3 =	sld [smem:$0x3FFE];
	_ =	sdelay $0x1  }
0x8a: {  	s1 =	srdreg.scid  }
0x8b: {  	s0 =	sand.u32 $0x1, s1  }
0x8c: {  	s18 =	sshll.u32 s0, $0xA;
	s2 =	sadd.s32 s3, s2  }
0x8d: {  	s2 =	sadd.s32 s2, s18  }
0x8e: {  	[smem:$0x3FC6] =	sst s2  }
0x8f: {  	_ = 	snop  }
0x90: {  	s2 =	sld [smem:$0x3FC9]  }
0x91: {  	s19 =	sld [smem:$0x3FC8]  }
0x92: {  	s4 =	sld [smem:$0x3FD0];
	(tm) =	ssettm $0x1  }
0x93: {  	s5 =	sld [smem:$0x3FFB];
	_ =	sdelay $0x3  }
0x94: {  	_ =	strace s5  }
0x95: {  	s5 =	sld [smem:$0x3FFC];
	_ =	sdelay $0x3  }
0x96: {  	_ =	strace s5  }
0x97: {  	s5 =	sld [smem:$0x3FFD];
	_ =	sdelay $0x3  }
0x98: {  	_ =	strace s5  }
0x99: {  	_ =	strace $0x8FFFFFFF  }
0x9a: {  	s20 =	sld [smem:$0x3FDB];
	_ =	sdelay $0x1  }
0x9b: {  	s6 =	simm.s32 $_scs_section_size  }
0x9c: {  	s7 =	simm.s32 $_size__tile_overlayer_lowered;
	s8 =	simm.s32 $_tile_overlayer_lowered  }
0x9d: {  	s23 =	simm.s32 $0x1BFF;
	s22 =	sshll.u32 s8, $0x1;
	s5 =	sadd.s32 s6, s20  }
0x9e: {  	s9 =	simm.s32 $0x0;
	s21 =	sshll.u32 s7, $0x1;
	s7 =	sadd.s32 s22, s5  }
0x9f: {  	[timem:s9], [sflag:s23] =	dma.local [hbm:s7], s21  }
0xa0: {  	_ =	swait.ge [sflag:s23], s21  }
0xa1: {  	s6 =	ssub.s32 $0x0, s21;
	[sflag:s23] =	ssyncset.done $0x0  }
0xa2: {  	[sflag:s23] =	ssyncadd.s32 s6;
	_ =	sdelay $0x1  }
0xa3: {  	s24 =	simm.s32 $0x1B8B  }
0xa4: {  	_ =	swait.ge [sflag:s24], $0x1  }
0xa5: {  	[sflag:s24] =	ssyncset.done $0x0  }
0xa6: {  	s25 =	simm.s32 $0x1B8E;
	[sflag:s24] =	ssyncadd.s32 $0xFFFFFFFF  }
0xa7: {  	s26 =	simm.s32 $execute0_lowered;
	[smem:$0x3FD2] =	sst s25  }
0xa8: {  	s6 =	sshll.u32 s26, $0x1;
	_ =	strace $0x80000046;
	[dreg:$0x1] =	wrdreg $0xFFFFFFFF  }
0xa9: {  	s28 =	simm.s32 $_size_execute0_lowered;
	s5 =	sadd.s32 s5, s6;
	[dreg:$0x0] =	wrdreg $0x0  }
0xaa: {  	s6 =	sshll.u32 s28, $0x1;
	[dreg:$0x2] =	wrdreg s5  }
0xab: {  	[dreg:$0x3] =	wrdreg s6  }
0xac: {  	[dreg:$0x4] =	wrdreg $0xC0  }
0xad: {  	_ =	task [dreg:s9], $0x5FFFF  }
0xae: {  	[dreg:$0x1] =	wrdreg $0xFFFFFFFF  }
0xaf: {  	[dreg:$0x0] =	wrdreg $0x60  }
0xb0: {  	[dreg:$0x2] =	wrdreg s2  }
0xb1: {  	[dreg:$0x3] =	wrdreg s19  }
0xb2: {  	[dreg:$0x4] =	wrdreg s4  }
0xb3: {  	[dreg:$0x5] =	wrdreg $0x9  }
0xb4: {  	_ =	task.clear_ibuf [dreg:s9], $0x6FFFF;
	_ =	strace $0x90000046  }
0xb5: {  	s29 =	simm.s32 $0x9;
	_ =	strace $0x80000048  }
0xb6: {  	_ =	swait.ge [sflag:s29], $0x1  }
0xb7: {  	[sflag:s29] =	ssyncadd.s32 $0xFFFFFFFF  }
0xb8: {  	_ =	strace $0x90000048  }
0xb9: {  	_ =	sfence  }
0xba: {  	s30 =	sld [smem:$0x0];
	_ =	sdelay $0x2  }
0xbb: {  	s31 =	sshll.u32 s1, $0xD;
	s1 =	sshrl.u32 s1, $0x2  }
0xbc: {  	s3 =	sand.u32 $0x4000, s31;
	s1 =	sadd.s32 s1, s30  }
0xbd: {  	s0 =	sor.u32 s3, s0;
	s1 =	sshll.u32 s1, $0x11  }
0xbe: {  	s0 =	sor.u32 s1, s0  }
0xbf: {  	s0 =	sadd.s32 $0x8F2B, s0  }
0xc0: {  	[sflag:s0] =	ssyncadd.remote.s32 $0x1  }
0xc1: {  	_ =	sfence.sel $0xFFFF  }
0xc2: {  	[dreg:$0x0] =	wrdreg $0xFFFFFFFF;
	(pc) =	sbr.abs _section_cstart, $3  }
0xc3: {  	[dreg:$0x1] =	wrdreg $0xFFFFFFFF  }
0xc4: {  	_ =	task.clear_ibuf [dreg:s9], $0x2FFFF;
	_ =	strace $0x9FFFFFFF  }
0xc5: {  	(tm) =	ssettm $0x7FFFFFFF  }
tec
execute0_lowered:
.L_overlay_start_1:
0x0: {  	(tag) =	ssettag $0x1  }
0x1: {  	s2 =	rddreg [dreg:$0x0]  }
0x2: {  	s3 =	rddreg [dreg:$0x1]  }
0x3: {  	s4 =	rddreg [dreg:$0x2]  }
0x4: {  	s0 =	srdreg.scid;
	s22 =	stileid.u32  }
0x5: {  	s5 =	simm.s32 $0x0;
	s15 =	simm.s32 $0x400;
	s16 =	simm.s32 $0x7A1400  }
0x6: {  	s17 =	simm.s32 $0x2000;
	s18 =	simm.s32 $0x1;
	s19 =	simm.s32 $0x4000  }
0x7: {  	s20 =	simm.s32 $0x2;
	s21 =	simm.s32 $0x8000;
	s23 =	simm.s32 $0x4  }
0x8: {  	s24 =	simm.s32 $0x0;
	s0 =	sand.u32 $0x1, s0;
	s1 =	sshll.u32 s22, $0x1  }
0x9: {  	[smem:$0x7FF] =	sst s5;
	s6 =	ssub.s32 $0x2, s0;
	s0 =	sor.u32 s0, s1  }
0xa: {  	p0 =	slt.u32 s22, $0x2;
	s13 =	sadd.s32 $0xF42000, s4;
	s7 =	smul.u32 $0x7A00, s0  }
0xb: {  	_ =	strace $0x80000047;
	s31 =	sshrl.u32 s6, $0x1;
	s8 =	smul.u32 $0xF4, s0  }
.Ltmp0:
0xc: {  	s12 =	sshll.u32 s0, $0xB;
	s10 =	sor.u32 $0x1E80, s0;
	(pc) =	sbr.rel .LBB2_1-.Ltmp0, $4  }
0xd: {  	v0 =	vlaneseq.u32;
	p1 =	sne.s32 s0, $0x1F;
	s1 =	ssub.s32 s6, s31;
	s6 =	simm.s32 $0xF5  }
0xe: {  	v0 =	vmul.u32 $0x80, v0;
	s12 =	sadd.s32 s12, s4;
	s7 =	sadd.s32 s2, s7;
	s6 =	simm.s32 @!p0 $0xF4  }
0xf: {  	s11 =	sor.u32 $0x1, s8;
	s12 =	sadd.s32 $0xF40000, s12;
	s14 =	smax.u32 s1, $0x1  }
0x10: {  	v1 =	vor.u32 $0x800, v0;
	v2 =	vor.u32 $0x1000, v0;
	v3 =	vor.u32 $0x1800, v0;
	p0 =	sgt.u32 s22, $0x1;
	s22 =	simm.s32 $0x3;
	s9 =	sadd.s32 $0x80, s7  }
.LBB2_11:
0x11: {  	_ =	swait.ge [sflag:s22], $0x4000  }
0x12: {  	[sflag:s22] =	ssyncset.done $0x0  }
0x13: {  	[sflag:s22] =	ssyncadd.s32 $0xFFFFC000  }
0x14: {  	_ =	swait.ge [sflag:s23], $0x4000  }
0x15: {  	s0 =	simm.s32 @!p1 $0x0;
	[sflag:s23] =	ssyncset.done $0x0  }
0x16: {  	s1 =	simm.s32 @!p1 $0x4000;
	s25 =	simm.s32 @!p1 $0x5;
	[sflag:s23] =	ssyncadd.s32 $0xFFFFC000  }
0x17: {  	[tilespmem:s1], [sflag:$0x5] =	stream.linear.gather @!p1 [hbm4b:s3+s0], $0x2000, $0x38;
	[tilespmem:$0xC000] =	vst v63  }
0x18: {  	_ =	swait.ge @!p1 [sflag:s25], $0x2000  }
0x19: {  	s24 =	sadd.s32 $0x1, s24;
	[sflag:s25] =	ssyncset.done @!p1 $0x0  }
0x1a: {  	p2 =	sne.s32 s24, s14;
	[sflag:s25] =	ssyncadd.s32 @!p1 $0xFFFFE000  }
0x1b: {  	[hbm4b:s13+s0] =	stream.linear.scatter @!p1 [tilespmem:s1], [sflag:$0x3], $0x2000, $0x38;
	[tilespmem:$0xC000] =	vst v63  }
.Ltmp1:
0x1c: {  	_ = 	snop;
	(pc) =	sbr.rel @!p2 .LBB2_12-.Ltmp1, $4  }
0x1d: {  	s0 =	simm.s32 @!p1 $0x3  }
0x1e: {  	_ =	swait.ge @!p1 [sflag:s0], $0x2000  }
0x1f: {  	[sflag:s0] =	ssyncset.done @!p1 $0x0  }
0x20: {  	[sflag:s0] =	ssyncadd.s32 @!p1 $0xFFFFE000  }
.LBB2_1:
0x21: {  	[tilespmem:s5], [sflag:$0x1] =	stream.strided.gather [hbm4b:s7+s15], $0x2000, s16, s15, $0x38;
	[tilespmem:$0xC000] =	vst v63  }
0x22: {  	s25 =	simm.s32 $0x0  }
0x23: {  	[tilespmem:s17], [sflag:$0x2] =	stream.strided.gather [hbm4b:s9+s15], $0x2000, s16, s15, $0x38;
	[tilespmem:$0xC000] =	vst v63  }
.LBB2_2:
0x24: {  	s0 =	simm.s32 $0x1  }
0x25: {  	v4 =	vmov s0  }
0x26: {  	v4 =	vand.u32 $0x7F, v4  }
0x27: {  	s26 =	simm.s32 $0x0;
	v6 =	vbroadcast v4, $0x0  }
0x28: {  	_ =	swait.ge [sflag:s18], $0x2000;
	v4 =	vmov s26  }
0x29: {  	p2 =	seq.s32 s25, $0x0;
	[sflag:s18] =	ssyncset.done $0x0;
	v4 =	vand.u32 $0x7E, v4;
	v5 =	vor.u32 v0, v6  }
0x2a: {  	s0 =	simm.s32 @!p2 $0x3;
	[sflag:s18] =	ssyncadd.s32 $0xFFFFE000;
	v9 =	vbroadcast v4, $0x0  }
0x2b: {  	s1 =	simm.s32 $0x3;
	_ =	swait.ge @!p2 [sflag:s0], $0x4000  }
0x2c: {  	[sflag:s0] =	ssyncset.done @!p2 $0x0;
	v4 =	vmov s1;
	s1 =	simm.s32 $0x2;
	v7 =	vor.u32 v0, v9  }
0x2d: {  	[sflag:s0] =	ssyncadd.s32 @!p2 $0xFFFFC000;
	v4 =	vand.u32 $0x7F, v4;
	v8 =	vmov s1  }
0x2e: {  	s26 =	simm.s32 $0x4;
	v11 =	vbroadcast v4, $0x0;
	v4 =	vand.u32 $0x7E, v8;
	v10 =	vld.idx.msk [tilespmem:v5+s5+$0x0], $0xffff  }
0x2f: {  	v8 =	vor.u32 v1, v6;
	v22 =	vbroadcast v4, $0x0;
	v4 =	vmov s26  }
0x30: {  	v12 =	vor.u32 v0, v11;
	v4 =	vand.u32 $0x7E, v4  }
0x31: {  	v13 =	vor.u32 v0, v22;
	v5 =	vbroadcast v4, $0x0;
	v7 =	vld.idx.msk [tilespmem:v7+s5+$0x0], $0xffff  }
0x32: {  	s28 =	simm.s32 $0x4080;
	v4 =	vor.u32 v1, v9  }
0x33: {  	s1 =	simm.s32 $0x5;
	v14 =	vor.u32 v0, v5;
	[tilespmem:s28+$0x0] =	vst v10  }
0x34: {  	v10 =	vmov s1;
	v15 =	vld.idx.msk [tilespmem:v8+s5+$0x0], $0xffff  }
0x35: {  	v8 =	vand.u32 $0x7F, v10;
	v10 =	vld.idx.msk [tilespmem:v12+s5+$0x0], $0xffff;
	v12 =	vor.u32 v2, v6  }
0x36: {  	v16 =	vor.u32 v1, v11;
	v13 =	vld.idx.msk [tilespmem:v13+s5+$0x0], $0xffff;
	v8 =	vbroadcast v8, $0x0;
	[tilespmem:s28+$0xFFFFFF80] =	vst v7  }
0x37: {  	s26 =	simm.s32 $0x6;
	v19 =	vor.u32 v1, v22;
	v18 =	vld.idx.msk [tilespmem:v4+s5+$0x0], $0xffff  }
0x38: {  	v17 =	vmov s26;
	v14 =	vld.idx.msk [tilespmem:v14+s5+$0x0], $0xffff;
	v7 =	vor.u32 v0, v8  }
0x39: {  	s29 =	simm.s32 $0x4180;
	v17 =	vand.u32 $0x7E, v17;
	v23 =	vor.u32 v1, v5;
	s1 =	simm.s32 $0x7;
	[tilespmem:s28+$0x10] =	vst v15  }
0x3a: {  	v4 =	vbroadcast v17, $0x0;
	v17 =	vor.u32 v2, v9;
	[tilespmem:s29+$0x0] =	vst v10;
	v15 =	vmov s1;
	v10 =	vld.idx.msk [tilespmem:v12+s5+$0x0], $0xffff  }
0x3b: {  	v20 =	vor.u32 v3, v6;
	[tilespmem:s29+$0xFFFFFF80] =	vst v13;
	v16 =	vld.idx.msk [tilespmem:v16+s5+$0x0], $0xffff;
	v15 =	vand.u32 $0x7F, v15  }
0x3c: {  	s30 =	simm.s32 $0x4280;
	v6 =	vbroadcast v15, $0x0;
	v15 =	vor.u32 v2, v11;
	[tilespmem:s28+$0xFFFFFF90] =	vst v18;
	v18 =	vld.idx.msk [tilespmem:v19+s5+$0x0], $0xffff  }
0x3d: {  	s26 =	simm.s32 $0x8;
	v12 =	vor.u32 v0, v4;
	[tilespmem:s30+$0xFFFFFF80] =	vst v14;
	v13 =	vld.idx.msk [tilespmem:v7+s5+$0x0], $0xffff  }
0x3e: {  	v19 =	vor.u32 v1, v8;
	v14 =	vld.idx.msk [tilespmem:v23+s5+$0x0], $0xffff;
	v7 =	vmov s26  }
0x3f: {  	v17 =	vld.idx.msk [tilespmem:v17+s5+$0x0], $0xffff;
	v21 =	vor.u32 v0, v6;
	v7 =	vand.u32 $0x7E, v7;
	[tilespmem:s28+$0x20] =	vst v10  }
0x40: {  	v7 =	vbroadcast v7, $0x0;
	v10 =	vor.u32 v2, v22;
	[tilespmem:s29+$0x10] =	vst v16;
	v16 =	vld.idx.msk [tilespmem:v20+s5+$0x0], $0xffff  }
0x41: {  	s1 =	simm.s32 $0x9;
	v20 =	vld.idx.msk [tilespmem:v15+s5+$0x0], $0xffff;
	v15 =	vor.u32 v3, v9  }
0x42: {  	v12 =	vld.idx.msk [tilespmem:v12+s5+$0x0], $0xffff;
	v24 =	vor.u32 v0, v7;
	v9 =	vmov s1;
	[tilespmem:s30+$0x0] =	vst v13  }
0x43: {  	v27 =	vor.u32 v3, v11;
	v9 =	vand.u32 $0x7F, v9;
	v25 =	vld.idx.msk [tilespmem:v19+s5+$0x0], $0xffff  }
0x44: {  	[tilespmem:s29+$0xFFFFFF90] =	vst v18;
	v18 =	vor.u32 v2, v8;
	v26 =	vld.idx.msk [tilespmem:v21+s5+$0x0], $0xffff;
	v9 =	vbroadcast v9, $0x0  }
0x45: {  	s26 =	simm.s32 $0xA;
	[tilespmem:s28+$0xFFFFFFA0] =	vst v17;
	v17 =	vor.u32 v1, v6;
	v13 =	vld.idx.msk [tilespmem:v10+s5+$0x0], $0xffff  }
0x46: {  	v10 =	vmov s26;
	v21 =	vor.u32 v0, v9;
	v15 =	vld.idx.msk [tilespmem:v15+s5+$0x0], $0xffff;
	[tilespmem:s28+$0x30] =	vst v16  }
0x47: {  	v19 =	vor.u32 v1, v4;
	v11 =	vld.idx.msk [tilespmem:v24+s5+$0x0], $0xffff;
	[tilespmem:s29+$0x20] =	vst v20;
	v10 =	vand.u32 $0x7E, v10  }
0x48: {  	s31 =	simm.s32 $0x4380;
	v20 =	vor.u32 v2, v5;
	v16 =	vld.idx.msk [tilespmem:v27+s5+$0x0], $0xffff;
	v10 =	vbroadcast v10, $0x0;
	[tilespmem:s30+$0x10] =	vst v25  }
0x49: {  	s0 =	simm.s32 $0xC;
	v22 =	vor.u32 v3, v22;
	s1 =	simm.s32 $0xB;
	s26 =	sshll.u32 s25, $0x1;
	[tilespmem:s31+$0x0] =	vst v26;
	v18 =	vld.idx.msk [tilespmem:v18+s5+$0x0], $0xffff  }
.LBB2_3:
0x4a: {  	p3 =	slt.u32 s0, $0x7E;
	v23 =	vor.u32 v0, v10;
	v24 =	vmov s1;
	[tilespmem:s31+$0xFFFFFF80] =	vst v12;
	v25 =	vld.idx.msk [tilespmem:v17+s5+$0x0], $0xffff;
	v26 =	vmov v10  }
0x4b: {  	v27 =	vor.u32 v3, v8;
	v8 =	vmovc v6;
	v6 =	vmov v9;
	v10 =	vand.u32 $0x7F, v24;
	v24 =	vld.idx.msk [tilespmem:v21+s5+$0x0], $0xffff;
	[tilespmem:s30+$0xFFFFFF90] =	vst v14  }
0x4c: {  	v28 =	vor.u32 v2, v8;
	v9 =	vbroadcast v10, $0x0;
	v14 =	vld.idx.msk [tilespmem:v19+s5+$0x0], $0xffff;
	[tilespmem:s29+$0xFFFFFFA0] =	vst v13  }
.Ltmp2:
0x4d: {  	v17 =	vor.u32 v1, v6;
	v12 =	vmov v11;
	v13 =	vld.idx.msk [tilespmem:v20+s5+$0x0], $0xffff;
	[tilespmem:s28+$0xFFFFFFB0] =	vst v15;
	s28 =	smov.u32 s29;
	s29 =	smov.u32 s30;
	(pc) =	sbr.rel @p3 .LBB2_3-.Ltmp2, $4  }
0x4e: {  	v10 =	vmov s0;
	s30 =	smov.u32 s31;
	v21 =	vor.u32 v0, v9;
	v15 =	vld.idx.msk [tilespmem:v22+s5+$0x0], $0xffff;
	[tilespmem:s28+$0x30] =	vst v16  }
0x4f: {  	v19 =	vor.u32 v1, v7;
	v10 =	vand.u32 $0x7E, v10;
	v11 =	vld.idx.msk [tilespmem:v23+s5+$0x0], $0xffff;
	[tilespmem:s29+$0x20] =	vst v18  }
0x50: {  	v20 =	vor.u32 v2, v4;
	s31 =	sadd.s32 $0x100, s31;
	v10 =	vbroadcast v10, $0x0;
	[tilespmem:s30+$0x10] =	vst v25;
	v16 =	vld.idx.msk [tilespmem:v27+s5+$0x0], $0xffff  }
0x51: {  	s1 =	sadd.s32 $0x1, s0;
	s0 =	sadd.s32 $0x2, s0;
	v22 =	vor.u32 v3, v5;
	v5 =	vmovc v4;
	v4 =	vmov v7;
	v7 =	vmov v26;
	[tilespmem:s31+$0x0] =	vst v24;
	v18 =	vld.idx.msk [tilespmem:v28+s5+$0x0], $0xffff  }
0x52: {  	_ =	sdelay $0x1  }
0x53: {  	v23 =	vmov s1  }
0x54: {  	[tilespmem:s31+$0xFFFFFF80] =	vst v12;
	v23 =	vand.u32 $0x7F, v23  }
0x55: {  	[tilespmem:s30+$0xFFFFFF90] =	vst v14;
	v14 =	vld.idx.msk [tilespmem:v21+s5+$0x0], $0xffff;
	v21 =	vor.u32 v0, v10;
	v12 =	vbroadcast v23, $0x0  }
0x56: {  	v17 =	vld.idx.msk [tilespmem:v17+s5+$0x0], $0xffff;
	[tilespmem:s29+$0xFFFFFFA0] =	vst v13;
	v8 =	vor.u32 v3, v8  }
0x57: {  	[tilespmem:s28+$0xFFFFFFB0] =	vst v15;
	v15 =	vld.idx.msk [tilespmem:v19+s5+$0x0], $0xffff;
	v13 =	vor.u32 v0, v12  }
0x58: {  	[tilespmem:s29+$0x30] =	vst v16;
	v16 =	vor.u32 v2, v6  }
0x59: {  	s0 =	sadd.s32 $0x100, s31;
	v19 =	vld.idx.msk [tilespmem:v20+s5+$0x0], $0xffff;
	[tilespmem:s30+$0x20] =	vst v18  }
0x5a: {  	v18 =	vor.u32 v1, v9;
	[tilespmem:s0+$0x0] =	vst v14;
	v14 =	vld.idx.msk [tilespmem:v21+s5+$0x0], $0xffff  }
0x5b: {  	[tilespmem:s31+$0x10] =	vst v17;
	v17 =	vor.u32 v1, v7;
	v8 =	vld.idx.msk [tilespmem:v8+s5+$0x0], $0xffff  }
0x5c: {  	[tilespmem:s31+$0xFFFFFF90] =	vst v15;
	v15 =	vor.u32 v1, v10;
	v13 =	vld.idx.msk [tilespmem:v13+s5+$0x0], $0xffff  }
0x5d: {  	[tilespmem:s0+$0xFFFFFF80] =	vst v11;
	v11 =	vor.u32 v1, v12;
	v16 =	vld.idx.msk [tilespmem:v16+s5+$0x0], $0xffff  }
0x5e: {  	v5 =	vor.u32 v3, v5;
	v20 =	vld.idx.msk [tilespmem:v22+s5+$0x0], $0xffff;
	s1 =	sadd.s32 $0x100, s0;
	[tilespmem:s30+$0xFFFFFFA0] =	vst v19  }
0x5f: {  	v21 =	vor.u32 v2, v4;
	v18 =	vld.idx.msk [tilespmem:v18+s5+$0x0], $0xffff;
	[tilespmem:s1+$0xFFFFFF80] =	vst v14  }
0x60: {  	v19 =	vor.u32 v2, v9;
	v17 =	vld.idx.msk [tilespmem:v17+s5+$0x0], $0xffff;
	[tilespmem:s30+$0x30] =	vst v8  }
0x61: {  	v8 =	vld.idx.msk [tilespmem:v15+s5+$0x0], $0xffff;
	[tilespmem:s1+$0x0] =	vst v13;
	v13 =	vor.u32 v2, v7  }
0x62: {  	[tilespmem:s31+$0x20] =	vst v16;
	v16 =	vor.u32 v2, v10;
	v11 =	vld.idx.msk [tilespmem:v11+s5+$0x0], $0xffff  }
0x63: {  	[tilespmem:s29+$0xFFFFFFB0] =	vst v20;
	v5 =	vld.idx.msk [tilespmem:v5+s5+$0x0], $0xffff;
	v14 =	vor.u32 v2, v12  }
0x64: {  	v6 =	vor.u32 v3, v6;
	v15 =	vld.idx.msk [tilespmem:v21+s5+$0x0], $0xffff;
	[tilespmem:s0+$0x10] =	vst v18  }
0x65: {  	v4 =	vor.u32 v3, v4;
	v18 =	vld.idx.msk [tilespmem:v19+s5+$0x0], $0xffff;
	[tilespmem:s0+$0xFFFFFF90] =	vst v17  }
0x66: {  	v9 =	vor.u32 v3, v9;
	[tilespmem:s1+$0xFFFFFF90] =	vst v8;
	v13 =	vld.idx.msk [tilespmem:v13+s5+$0x0], $0xffff  }
0x67: {  	v7 =	vor.u32 v3, v7;
	v8 =	vor.u32 v3, v12;
	v12 =	vld.idx.msk [tilespmem:v16+s5+$0x0], $0xffff;
	[tilespmem:s1+$0x10] =	vst v11  }
0x68: {  	[tilespmem:s30+$0xFFFFFFB0] =	vst v5;
	v5 =	vor.u32 v3, v10;
	v11 =	vld.idx.msk [tilespmem:v14+s5+$0x0], $0xffff  }
0x69: {  	v6 =	vld.idx.msk [tilespmem:v6+s5+$0x0], $0xffff;
	[tilespmem:s31+$0xFFFFFFA0] =	vst v15  }
0x6a: {  	v4 =	vld.idx.msk [tilespmem:v4+s5+$0x0], $0xffff;
	[tilespmem:s0+$0x20] =	vst v18  }
0x6b: {  	v9 =	vld.idx.msk [tilespmem:v9+s5+$0x0], $0xffff;
	[tilespmem:s0+$0xFFFFFFA0] =	vst v13  }
0x6c: {  	[tilespmem:s1+$0xFFFFFFA0] =	vst v12;
	v7 =	vld.idx.msk [tilespmem:v7+s5+$0x0], $0xffff  }
0x6d: {  	v5 =	vld.idx.msk [tilespmem:v5+s5+$0x0], $0xffff;
	[tilespmem:s1+$0x20] =	vst v11  }
0x6e: {  	[tilespmem:s31+$0x30] =	vst v6;
	v8 =	vld.idx.msk [tilespmem:v8+s5+$0x0], $0xffff  }
0x6f: {  	[tilespmem:s31+$0xFFFFFFB0] =	vst v4  }
0x70: {  	[tilespmem:s0+$0x30] =	vst v9  }
0x71: {  	[tilespmem:s0+$0xFFFFFFB0] =	vst v7;
	s0 =	sadd.s32 s8, s26  }
0x72: {  	[tilespmem:s1+$0xFFFFFFB0] =	vst v5;
	s0 =	sshll.u32 s0, $0xB  }
0x73: {  	[tilespmem:s1+$0x30] =	vst v8;
	s0 =	sadd.s32 s4, s0  }
0x74: {  	[hbm4b:s0+s5] =	stream.linear.scatter [tilespmem:s19], [sflag:$0x3], $0x4000, $0x38;
	[tilespmem:$0xC000] =	vst v63  }
0x75: {  	s0 =	sadd.s32 $0x2, s26  }
0x76: {  	p3 =	sge.u32 s0, s6  }
0x77: {  	p4 =	seq.s32 @!p3 s25, $0x79  }
0x78: {  	s1 =	smov.u32 s10;
	s0 =	sadd.s32 @!p3 s8, s0;
	p4 =	por !p4, p3  }
0x79: {  	s1 =	smov.u32 @p4 s0  }
0x7a: {  	s0 =	sshll.u32 @!p3 s1, $0x7;
	s1 =	simm.s32 $0x1  }
0x7b: {  	s28 =	simm.s32 @!p3 $0x7A1400;
	s0 =	sand.u32 @!p3 $0x1FFFFF80, s0;
	v4 =	vmov s1  }
0x7c: {  	s29 =	simm.s32 @!p3 $0x0;
	s1 =	simm.s32 @!p3 $0x400;
	s0 =	sadd.s32 @!p3 s2, s0;
	v4 =	vand.u32 $0x7F, v4  }
0x7d: {  	[tilespmem:s29], [sflag:$0x1] =	stream.strided.gather @!p3 [hbm4b:s0+s1], $0x2000, s28, s1, $0x38;
	v6 =	vbroadcast v4, $0x0;
	[tilespmem:$0xC000] =	vst v63  }
0x7e: {  	s1 =	simm.s32 $0x0;
	_ =	swait.ge [sflag:s20], $0x2000  }
0x7f: {  	v4 =	vmov s1;
	[sflag:s20] =	ssyncset.done $0x0;
	v5 =	vor.u32 v0, v6  }
0x80: {  	s0 =	simm.s32 @!p2 $0x4;
	s1 =	simm.s32 $0x3;
	v4 =	vand.u32 $0x7E, v4;
	[sflag:s20] =	ssyncadd.s32 $0xFFFFE000  }
0x81: {  	v9 =	vbroadcast v4, $0x0;
	v4 =	vmov s1;
	s1 =	simm.s32 $0x2;
	_ =	swait.ge @!p2 [sflag:s0], $0x4000  }
0x82: {  	v4 =	vand.u32 $0x7F, v4;
	v8 =	vmov s1;
	[sflag:s0] =	ssyncset.done @!p2 $0x0  }
0x83: {  	s1 =	simm.s32 $0x4;
	v7 =	vor.u32 v0, v9;
	v11 =	vbroadcast v4, $0x0;
	v4 =	vand.u32 $0x7E, v8;
	[sflag:s0] =	ssyncadd.s32 @!p2 $0xFFFFC000  }
0x84: {  	v22 =	vbroadcast v4, $0x0;
	v4 =	vmov s1;
	v10 =	vld.idx.msk [tilespmem:v5+s17+$0x0], $0xffff  }
0x85: {  	v8 =	vor.u32 v1, v6;
	v4 =	vand.u32 $0x7E, v4  }
0x86: {  	v12 =	vor.u32 v0, v11;
	v5 =	vbroadcast v4, $0x0  }
0x87: {  	v13 =	vor.u32 v0, v22  }
0x88: {  	s28 =	simm.s32 $0x8080;
	s1 =	simm.s32 $0x5;
	v7 =	vld.idx.msk [tilespmem:v7+s17+$0x0], $0xffff;
	v14 =	vor.u32 v0, v5  }
0x89: {  	v4 =	vor.u32 v1, v9;
	[tilespmem:s28+$0x0] =	vst v10;
	v10 =	vmov s1  }
0x8a: {  	v15 =	vld.idx.msk [tilespmem:v8+s17+$0x0], $0xffff;
	v8 =	vand.u32 $0x7F, v10  }
0x8b: {  	v10 =	vld.idx.msk [tilespmem:v12+s17+$0x0], $0xffff;
	v12 =	vor.u32 v2, v6;
	v8 =	vbroadcast v8, $0x0  }
0x8c: {  	v16 =	vor.u32 v1, v11;
	v13 =	vld.idx.msk [tilespmem:v13+s17+$0x0], $0xffff  }
0x8d: {  	s1 =	simm.s32 $0x6;
	[tilespmem:s28+$0xFFFFFF80] =	vst v7;
	v14 =	vld.idx.msk [tilespmem:v14+s17+$0x0], $0xffff;
	v7 =	vor.u32 v0, v8  }
0x8e: {  	v19 =	vor.u32 v1, v22;
	v17 =	vmov s1;
	v18 =	vld.idx.msk [tilespmem:v4+s17+$0x0], $0xffff  }
0x8f: {  	s29 =	simm.s32 $0x8180;
	v23 =	vor.u32 v1, v5;
	s1 =	simm.s32 $0x7;
	v17 =	vand.u32 $0x7E, v17;
	[tilespmem:s28+$0x10] =	vst v15  }
0x90: {  	v4 =	vbroadcast v17, $0x0;
	v17 =	vor.u32 v2, v9;
	[tilespmem:s29+$0x0] =	vst v10;
	v15 =	vmov s1;
	v10 =	vld.idx.msk [tilespmem:v12+s17+$0x0], $0xffff  }
0x91: {  	s30 =	simm.s32 $0x8280;
	v20 =	vor.u32 v3, v6;
	[tilespmem:s29+$0xFFFFFF80] =	vst v13;
	v16 =	vld.idx.msk [tilespmem:v16+s17+$0x0], $0xffff;
	v15 =	vand.u32 $0x7F, v15  }
0x92: {  	v6 =	vbroadcast v15, $0x0;
	v15 =	vor.u32 v2, v11;
	[tilespmem:s30+$0xFFFFFF80] =	vst v14;
	v13 =	vld.idx.msk [tilespmem:v7+s17+$0x0], $0xffff  }
0x93: {  	s1 =	simm.s32 $0x8;
	v12 =	vor.u32 v0, v4;
	[tilespmem:s28+$0xFFFFFF90] =	vst v18;
	v18 =	vld.idx.msk [tilespmem:v19+s17+$0x0], $0xffff  }
0x94: {  	v19 =	vor.u32 v1, v8;
	v7 =	vmov s1;
	v14 =	vld.idx.msk [tilespmem:v23+s17+$0x0], $0xffff  }
0x95: {  	v17 =	vld.idx.msk [tilespmem:v17+s17+$0x0], $0xffff;
	v21 =	vor.u32 v0, v6;
	v7 =	vand.u32 $0x7E, v7;
	[tilespmem:s28+$0x20] =	vst v10  }
0x96: {  	v7 =	vbroadcast v7, $0x0;
	v10 =	vor.u32 v2, v22;
	[tilespmem:s29+$0x10] =	vst v16;
	v16 =	vld.idx.msk [tilespmem:v20+s17+$0x0], $0xffff  }
0x97: {  	s1 =	simm.s32 $0x9;
	v20 =	vld.idx.msk [tilespmem:v15+s17+$0x0], $0xffff;
	v15 =	vor.u32 v3, v9  }
0x98: {  	v12 =	vld.idx.msk [tilespmem:v12+s17+$0x0], $0xffff;
	v24 =	vor.u32 v0, v7;
	v9 =	vmov s1;
	[tilespmem:s30+$0x0] =	vst v13  }
0x99: {  	v27 =	vor.u32 v3, v11;
	v9 =	vand.u32 $0x7F, v9;
	v25 =	vld.idx.msk [tilespmem:v19+s17+$0x0], $0xffff  }
0x9a: {  	v23 =	vor.u32 v2, v8;
	[tilespmem:s29+$0xFFFFFF90] =	vst v18;
	v26 =	vld.idx.msk [tilespmem:v21+s17+$0x0], $0xffff;
	v9 =	vbroadcast v9, $0x0  }
0x9b: {  	s1 =	simm.s32 $0xA;
	v18 =	vor.u32 v1, v6;
	[tilespmem:s28+$0xFFFFFFA0] =	vst v17;
	v13 =	vld.idx.msk [tilespmem:v10+s17+$0x0], $0xffff  }
0x9c: {  	v10 =	vmov s1;
	v21 =	vor.u32 v0, v9;
	v15 =	vld.idx.msk [tilespmem:v15+s17+$0x0], $0xffff;
	[tilespmem:s28+$0x30] =	vst v16  }
0x9d: {  	v19 =	vor.u32 v1, v4;
	v11 =	vld.idx.msk [tilespmem:v24+s17+$0x0], $0xffff;
	[tilespmem:s29+$0x20] =	vst v20;
	v10 =	vand.u32 $0x7E, v10  }
0x9e: {  	s31 =	simm.s32 $0x8380;
	v20 =	vor.u32 v2, v5;
	v16 =	vld.idx.msk [tilespmem:v27+s17+$0x0], $0xffff;
	v10 =	vbroadcast v10, $0x0;
	[tilespmem:s30+$0x10] =	vst v25  }
0x9f: {  	s0 =	simm.s32 $0xC;
	v22 =	vor.u32 v3, v22;
	s1 =	simm.s32 $0xB;
	[tilespmem:s31+$0x0] =	vst v26;
	v17 =	vld.idx.msk [tilespmem:v23+s17+$0x0], $0xffff  }
.LBB2_5:
0xa0: {  	p2 =	slt.u32 s0, $0x7E;
	v23 =	vor.u32 v0, v10;
	v24 =	vmov s1;
	[tilespmem:s31+$0xFFFFFF80] =	vst v12;
	v25 =	vld.idx.msk [tilespmem:v18+s17+$0x0], $0xffff;
	v26 =	vmov v10  }
0xa1: {  	v27 =	vor.u32 v3, v8;
	v8 =	vmovc v6;
	v6 =	vmov v9;
	v10 =	vand.u32 $0x7F, v24;
	v24 =	vld.idx.msk [tilespmem:v21+s17+$0x0], $0xffff;
	[tilespmem:s30+$0xFFFFFF90] =	vst v14  }
0xa2: {  	v28 =	vor.u32 v2, v8;
	v9 =	vbroadcast v10, $0x0;
	v14 =	vld.idx.msk [tilespmem:v19+s17+$0x0], $0xffff;
	[tilespmem:s29+$0xFFFFFFA0] =	vst v13  }
.Ltmp3:
0xa3: {  	v18 =	vor.u32 v1, v6;
	v12 =	vmov v11;
	v13 =	vld.idx.msk [tilespmem:v20+s17+$0x0], $0xffff;
	[tilespmem:s28+$0xFFFFFFB0] =	vst v15;
	s28 =	smov.u32 s29;
	s29 =	smov.u32 s30;
	(pc) =	sbr.rel @p2 .LBB2_5-.Ltmp3, $4  }
0xa4: {  	v10 =	vmov s0;
	s30 =	smov.u32 s31;
	v21 =	vor.u32 v0, v9;
	v15 =	vld.idx.msk [tilespmem:v22+s17+$0x0], $0xffff;
	[tilespmem:s28+$0x30] =	vst v16  }
0xa5: {  	v19 =	vor.u32 v1, v7;
	v10 =	vand.u32 $0x7E, v10;
	v11 =	vld.idx.msk [tilespmem:v23+s17+$0x0], $0xffff;
	[tilespmem:s29+$0x20] =	vst v17  }
0xa6: {  	v20 =	vor.u32 v2, v4;
	s31 =	sadd.s32 $0x100, s31;
	v10 =	vbroadcast v10, $0x0;
	[tilespmem:s30+$0x10] =	vst v25;
	v16 =	vld.idx.msk [tilespmem:v27+s17+$0x0], $0xffff  }
0xa7: {  	s1 =	sadd.s32 $0x1, s0;
	s0 =	sadd.s32 $0x2, s0;
	v22 =	vor.u32 v3, v5;
	v5 =	vmovc v4;
	v4 =	vmov v7;
	v7 =	vmov v26;
	[tilespmem:s31+$0x0] =	vst v24;
	v17 =	vld.idx.msk [tilespmem:v28+s17+$0x0], $0xffff  }
0xa8: {  	_ = 	snop  }
0xa9: {  	v23 =	vmov s1  }
0xaa: {  	[tilespmem:s31+$0xFFFFFF80] =	vst v12;
	v23 =	vand.u32 $0x7F, v23  }
0xab: {  	[tilespmem:s30+$0xFFFFFF90] =	vst v14;
	v39 =	vbroadcast v23, $0x0  }
0xac: {  	v18 =	vld.idx.msk [tilespmem:v18+s17+$0x0], $0xffff;
	[tilespmem:s29+$0xFFFFFFA0] =	vst v13;
	v42 =	vor.u32 v0, v10  }
0xad: {  	v40 =	vld.idx.msk [tilespmem:v21+s17+$0x0], $0xffff;
	s0 =	sadd.s32 $0x100, s31;
	[tilespmem:s28+$0xFFFFFFB0] =	vst v15;
	v41 =	vor.u32 v0, v39  }
0xae: {  	v8 =	vor.u32 v3, v8;
	v43 =	vld.idx.msk [tilespmem:v19+s17+$0x0], $0xffff;
	[tilespmem:s0+$0xFFFFFF80] =	vst v11  }
0xaf: {  	v48 =	vor.u32 v1, v7;
	v45 =	vld.idx.msk [tilespmem:v20+s17+$0x0], $0xffff;
	[tilespmem:s29+$0x30] =	vst v16  }
0xb0: {  	v46 =	vor.u32 v1, v9;
	v47 =	vld.idx.msk [tilespmem:v22+s17+$0x0], $0xffff;
	[tilespmem:s30+$0x20] =	vst v17  }
0xb1: {  	v44 =	vor.u32 v2, v6;
	[tilespmem:s31+$0x10] =	vst v18;
	v49 =	vld.idx.msk [tilespmem:v42+s17+$0x0], $0xffff  }
0xb2: {  	v51 =	vor.u32 v1, v10;
	[tilespmem:s0+$0x0] =	vst v40;
	v13 =	vld.idx.msk [tilespmem:v41+s17+$0x0], $0xffff  }
0xb3: {  	v50 =	vor.u32 v1, v39;
	v8 =	vld.idx.msk [tilespmem:v8+s17+$0x0], $0xffff;
	[tilespmem:s31+$0xFFFFFF90] =	vst v43  }
0xb4: {  	v5 =	vor.u32 v3, v5;
	v18 =	vld.idx.msk [tilespmem:v48+s17+$0x0], $0xffff;
	[tilespmem:s30+$0xFFFFFFA0] =	vst v45  }
0xb5: {  	v52 =	vor.u32 v2, v4;
	v17 =	vld.idx.msk [tilespmem:v46+s17+$0x0], $0xffff;
	[tilespmem:s29+$0xFFFFFFB0] =	vst v47;
	s29 =	sadd.s32 $0x100, s0  }
0xb6: {  	v53 =	vor.u32 v2, v9;
	v16 =	vld.idx.msk [tilespmem:v44+s17+$0x0], $0xffff;
	[tilespmem:s29+$0xFFFFFF80] =	vst v49  }
0xb7: {  	v54 =	vor.u32 v2, v7;
	v55 =	vld.idx.msk [tilespmem:v51+s17+$0x0], $0xffff;
	[tilespmem:s29+$0x0] =	vst v13  }
0xb8: {  	v58 =	vor.u32 v2, v10;
	[tilespmem:s30+$0x30] =	vst v8;
	v11 =	vld.idx.msk [tilespmem:v50+s17+$0x0], $0xffff  }
0xb9: {  	v56 =	vor.u32 v2, v39;
	v5 =	vld.idx.msk [tilespmem:v5+s17+$0x0], $0xffff;
	[tilespmem:s0+$0xFFFFFF90] =	vst v18  }
0xba: {  	v59 =	vor.u32 v3, v6;
	v57 =	vld.idx.msk [tilespmem:v52+s17+$0x0], $0xffff;
	[tilespmem:s0+$0x10] =	vst v17  }
0xbb: {  	v4 =	vor.u32 v3, v4;
	[tilespmem:s31+$0x20] =	vst v16;
	v17 =	vld.idx.msk [tilespmem:v53+s17+$0x0], $0xffff  }
0xbc: {  	v60 =	vor.u32 v3, v9;
	v13 =	vld.idx.msk [tilespmem:v54+s17+$0x0], $0xffff;
	[tilespmem:s29+$0xFFFFFF90] =	vst v55  }
0xbd: {  	v61 =	vor.u32 v3, v7;
	v63 =	vld.idx.msk [tilespmem:v58+s17+$0x0], $0xffff;
	[tilespmem:s29+$0x10] =	vst v11  }
0xbe: {  	[tilespmem:s30+$0xFFFFFFB0] =	vst v5;
	v5 =	vor.u32 v3, v10;
	v11 =	vld.idx.msk [tilespmem:v56+s17+$0x0], $0xffff  }
0xbf: {  	v62 =	vor.u32 v3, v39;
	[tilespmem:s31+$0xFFFFFFA0] =	vst v57;
	v6 =	vld.idx.msk [tilespmem:v59+s17+$0x0], $0xffff  }
0xc0: {  	v4 =	vld.idx.msk [tilespmem:v4+s17+$0x0], $0xffff;
	[tilespmem:s0+$0x20] =	vst v17  }
0xc1: {  	v9 =	vld.idx.msk [tilespmem:v60+s17+$0x0], $0xffff;
	[tilespmem:s0+$0xFFFFFFA0] =	vst v13  }
0xc2: {  	v7 =	vld.idx.msk [tilespmem:v61+s17+$0x0], $0xffff;
	[tilespmem:s29+$0xFFFFFFA0] =	vst v63  }
0xc3: {  	v5 =	vld.idx.msk [tilespmem:v5+s17+$0x0], $0xffff;
	[tilespmem:s29+$0x20] =	vst v11  }
0xc4: {  	[tilespmem:s31+$0x30] =	vst v6;
	v8 =	vld.idx.msk [tilespmem:v62+s17+$0x0], $0xffff  }
0xc5: {  	[tilespmem:s31+$0xFFFFFFB0] =	vst v4  }
0xc6: {  	s30 =	sadd.s32 s26, s11;
	[tilespmem:s0+$0x30] =	vst v9  }
0xc7: {  	s31 =	sshll.u32 s30, $0xB;
	[tilespmem:s0+$0xFFFFFFB0] =	vst v7  }
0xc8: {  	s0 =	sand.u32 $0x1FFFF800, s31;
	[tilespmem:s29+$0xFFFFFFB0] =	vst v5  }
0xc9: {  	s0 =	sadd.s32 s4, s0;
	[tilespmem:s29+$0x30] =	vst v8  }
0xca: {  	[hbm4b:s0+s5] =	stream.linear.scatter [tilespmem:s21], [sflag:$0x4], $0x4000, $0x38;
	[tilespmem:$0xC000] =	vst v63  }
0xcb: {  	s0 =	sadd.s32 $0x3, s26  }
0xcc: {  	p2 =	sge.u32 s0, s6  }
0xcd: {  	p3 =	seq.s32 @!p2 s25, $0x79  }
0xce: {  	s1 =	smov.u32 s10;
	s0 =	sadd.s32 @!p2 s8, s0;
	p3 =	por !p3, p2  }
0xcf: {  	s1 =	smov.u32 @p3 s0  }
0xd0: {  	s26 =	simm.s32 @!p2 $0x7A1400;
	s0 =	sshll.u32 @!p2 s1, $0x7  }
0xd1: {  	s28 =	simm.s32 @!p2 $0x2000;
	s0 =	sand.u32 @!p2 $0x1FFFFF80, s0  }
0xd2: {  	s25 =	sadd.s32 $0x1, s25;
	s1 =	simm.s32 @!p2 $0x400;
	s0 =	sadd.s32 @!p2 s2, s0  }
0xd3: {  	[tilespmem:s28], [sflag:$0x2] =	stream.strided.gather @!p2 [hbm4b:s0+s1], $0x2000, s26, s1, $0x38;
	[tilespmem:$0xC000] =	vst v63  }
0xd4: {  	p2 =	sne.s32 s25, $0x7A  }
.Ltmp4:
0xd5: {  	_ = 	snop;
	(pc) =	sbr.rel @p2 .LBB2_2-.Ltmp4, $1  }
0xd6: {  	_ =	sdelay $0x3  }
.Ltmp5:
0xd7: {  	(pc) =	sbr.rel @p0 .LBB2_11-.Ltmp5, $1  }
0xd8: {  	_ =	sdelay $0x3  }
0xd9: {  	s0 =	simm.s32 $0x1  }
0xda: {  	v4 =	vmov s0  }
0xdb: {  	v4 =	vand.u32 $0x7F, v4  }
0xdc: {  	s30 =	simm.s32 $0x0;
	v6 =	vbroadcast v4, $0x0  }
0xdd: {  	_ =	swait.ge [sflag:s18], $0x2000;
	v4 =	vmov s30  }
0xde: {  	[sflag:s18] =	ssyncset.done $0x0;
	v4 =	vand.u32 $0x7E, v4;
	v5 =	vor.u32 v0, v6  }
0xdf: {  	[sflag:s18] =	ssyncadd.s32 $0xFFFFE000;
	v9 =	vbroadcast v4, $0x0  }
0xe0: {  	s31 =	simm.s32 $0x3;
	_ =	swait.ge [sflag:s22], $0x4000  }
0xe1: {  	s1 =	simm.s32 $0x2;
	[sflag:s22] =	ssyncset.done $0x0;
	v4 =	vmov s31;
	v7 =	vor.u32 v0, v9  }
0xe2: {  	v8 =	vmov s1;
	[sflag:s22] =	ssyncadd.s32 $0xFFFFC000;
	v4 =	vand.u32 $0x7F, v4  }
0xe3: {  	s25 =	simm.s32 $0x4;
	v11 =	vbroadcast v4, $0x0;
	v4 =	vand.u32 $0x7E, v8;
	v10 =	vld.idx.msk [tilespmem:v5+s5+$0x0], $0xffff  }
0xe4: {  	v8 =	vor.u32 v1, v6;
	v22 =	vbroadcast v4, $0x0;
	v4 =	vmov s25  }
0xe5: {  	v12 =	vor.u32 v0, v11;
	v4 =	vand.u32 $0x7E, v4  }
0xe6: {  	v13 =	vor.u32 v0, v22;
	v5 =	vbroadcast v4, $0x0;
	v7 =	vld.idx.msk [tilespmem:v7+s5+$0x0], $0xffff  }
0xe7: {  	s25 =	simm.s32 $0x4080;
	v4 =	vor.u32 v1, v9  }
0xe8: {  	s26 =	simm.s32 $0x5;
	v14 =	vor.u32 v0, v5;
	[tilespmem:s25+$0x0] =	vst v10  }
0xe9: {  	v10 =	vmov s26;
	v15 =	vld.idx.msk [tilespmem:v8+s5+$0x0], $0xffff  }
0xea: {  	v8 =	vand.u32 $0x7F, v10;
	v10 =	vld.idx.msk [tilespmem:v12+s5+$0x0], $0xffff;
	v12 =	vor.u32 v2, v6  }
0xeb: {  	v16 =	vor.u32 v1, v11;
	v13 =	vld.idx.msk [tilespmem:v13+s5+$0x0], $0xffff;
	v8 =	vbroadcast v8, $0x0;
	[tilespmem:s25+$0xFFFFFF80] =	vst v7  }
0xec: {  	s30 =	simm.s32 $0x6;
	v19 =	vor.u32 v1, v22;
	v18 =	vld.idx.msk [tilespmem:v4+s5+$0x0], $0xffff  }
0xed: {  	v17 =	vmov s30;
	v14 =	vld.idx.msk [tilespmem:v14+s5+$0x0], $0xffff;
	v7 =	vor.u32 v0, v8  }
0xee: {  	v17 =	vand.u32 $0x7E, v17;
	s31 =	simm.s32 $0x7;
	v23 =	vor.u32 v1, v5;
	s26 =	simm.s32 $0x4180;
	[tilespmem:s25+$0x10] =	vst v15  }
0xef: {  	v4 =	vbroadcast v17, $0x0;
	v17 =	vor.u32 v2, v9;
	[tilespmem:s26+$0x0] =	vst v10;
	v15 =	vmov s31;
	v10 =	vld.idx.msk [tilespmem:v12+s5+$0x0], $0xffff  }
0xf0: {  	v20 =	vor.u32 v3, v6;
	[tilespmem:s26+$0xFFFFFF80] =	vst v13;
	v16 =	vld.idx.msk [tilespmem:v16+s5+$0x0], $0xffff;
	v15 =	vand.u32 $0x7F, v15  }
0xf1: {  	s28 =	simm.s32 $0x4280;
	v6 =	vbroadcast v15, $0x0;
	v15 =	vor.u32 v2, v11;
	[tilespmem:s25+$0xFFFFFF90] =	vst v18;
	v18 =	vld.idx.msk [tilespmem:v19+s5+$0x0], $0xffff  }
0xf2: {  	s1 =	simm.s32 $0x8;
	v12 =	vor.u32 v0, v4;
	[tilespmem:s28+$0xFFFFFF80] =	vst v14;
	v13 =	vld.idx.msk [tilespmem:v7+s5+$0x0], $0xffff  }
0xf3: {  	v19 =	vor.u32 v1, v8;
	v14 =	vld.idx.msk [tilespmem:v23+s5+$0x0], $0xffff;
	v7 =	vmov s1  }
0xf4: {  	v17 =	vld.idx.msk [tilespmem:v17+s5+$0x0], $0xffff;
	v21 =	vor.u32 v0, v6;
	v7 =	vand.u32 $0x7E, v7;
	[tilespmem:s25+$0x20] =	vst v10  }
0xf5: {  	v7 =	vbroadcast v7, $0x0;
	v10 =	vor.u32 v2, v22;
	[tilespmem:s26+$0x10] =	vst v16;
	v16 =	vld.idx.msk [tilespmem:v20+s5+$0x0], $0xffff  }
0xf6: {  	s30 =	simm.s32 $0x9;
	v20 =	vld.idx.msk [tilespmem:v15+s5+$0x0], $0xffff;
	v15 =	vor.u32 v3, v9  }
0xf7: {  	v12 =	vld.idx.msk [tilespmem:v12+s5+$0x0], $0xffff;
	v24 =	vor.u32 v0, v7;
	v9 =	vmov s30;
	[tilespmem:s28+$0x0] =	vst v13  }
0xf8: {  	v27 =	vor.u32 v3, v11;
	v9 =	vand.u32 $0x7F, v9;
	v25 =	vld.idx.msk [tilespmem:v19+s5+$0x0], $0xffff  }
0xf9: {  	v23 =	vor.u32 v2, v8;
	[tilespmem:s26+$0xFFFFFF90] =	vst v18;
	v26 =	vld.idx.msk [tilespmem:v21+s5+$0x0], $0xffff;
	v9 =	vbroadcast v9, $0x0  }
0xfa: {  	s31 =	simm.s32 $0xA;
	v18 =	vor.u32 v1, v6;
	[tilespmem:s25+$0xFFFFFFA0] =	vst v17;
	v13 =	vld.idx.msk [tilespmem:v10+s5+$0x0], $0xffff  }
0xfb: {  	v10 =	vmov s31;
	v21 =	vor.u32 v0, v9;
	v15 =	vld.idx.msk [tilespmem:v15+s5+$0x0], $0xffff;
	[tilespmem:s25+$0x30] =	vst v16  }
0xfc: {  	v19 =	vor.u32 v1, v4;
	v11 =	vld.idx.msk [tilespmem:v24+s5+$0x0], $0xffff;
	[tilespmem:s26+$0x20] =	vst v20;
	v10 =	vand.u32 $0x7E, v10  }
0xfd: {  	s29 =	simm.s32 $0x4380;
	v20 =	vor.u32 v2, v5;
	v16 =	vld.idx.msk [tilespmem:v27+s5+$0x0], $0xffff;
	v10 =	vbroadcast v10, $0x0;
	[tilespmem:s28+$0x10] =	vst v25  }
0xfe: {  	s0 =	simm.s32 $0xC;
	s1 =	simm.s32 $0xB;
	v22 =	vor.u32 v3, v22;
	[tilespmem:s29+$0x0] =	vst v26;
	v17 =	vld.idx.msk [tilespmem:v23+s5+$0x0], $0xffff  }
.LBB2_9:
0xff: {  	p2 =	slt.u32 s0, $0x7E;
	v23 =	vor.u32 v0, v10;
	v24 =	vmov s1;
	[tilespmem:s29+$0xFFFFFF80] =	vst v12;
	v25 =	vld.idx.msk [tilespmem:v18+s5+$0x0], $0xffff;
	v26 =	vmov v10  }
0x100: {  	v27 =	vor.u32 v3, v8;
	v8 =	vmovc v6;
	v6 =	vmov v9;
	v10 =	vand.u32 $0x7F, v24;
	v24 =	vld.idx.msk [tilespmem:v21+s5+$0x0], $0xffff;
	[tilespmem:s28+$0xFFFFFF90] =	vst v14  }
0x101: {  	v28 =	vor.u32 v2, v8;
	v9 =	vbroadcast v10, $0x0;
	v14 =	vld.idx.msk [tilespmem:v19+s5+$0x0], $0xffff;
	[tilespmem:s26+$0xFFFFFFA0] =	vst v13  }
.Ltmp6:
0x102: {  	v18 =	vor.u32 v1, v6;
	v12 =	vmov v11;
	v13 =	vld.idx.msk [tilespmem:v20+s5+$0x0], $0xffff;
	[tilespmem:s25+$0xFFFFFFB0] =	vst v15;
	s25 =	smov.u32 s26;
	s26 =	smov.u32 s28;
	(pc) =	sbr.rel @p2 .LBB2_9-.Ltmp6, $4  }
0x103: {  	v10 =	vmov s0;
	s28 =	smov.u32 s29;
	v21 =	vor.u32 v0, v9;
	v15 =	vld.idx.msk [tilespmem:v22+s5+$0x0], $0xffff;
	[tilespmem:s25+$0x30] =	vst v16  }
0x104: {  	v19 =	vor.u32 v1, v7;
	v10 =	vand.u32 $0x7E, v10;
	v11 =	vld.idx.msk [tilespmem:v23+s5+$0x0], $0xffff;
	[tilespmem:s26+$0x20] =	vst v17  }
0x105: {  	v20 =	vor.u32 v2, v4;
	s29 =	sadd.s32 $0x100, s29;
	v10 =	vbroadcast v10, $0x0;
	[tilespmem:s28+$0x10] =	vst v25;
	v16 =	vld.idx.msk [tilespmem:v27+s5+$0x0], $0xffff  }
0x106: {  	s1 =	sadd.s32 $0x1, s0;
	s0 =	sadd.s32 $0x2, s0;
	v22 =	vor.u32 v3, v5;
	v5 =	vmovc v4;
	v4 =	vmov v7;
	v7 =	vmov v26;
	[tilespmem:s29+$0x0] =	vst v24;
	v17 =	vld.idx.msk [tilespmem:v28+s5+$0x0], $0xffff  }
0x107: {  	_ = 	snop  }
0x108: {  	v23 =	vmov s1  }
0x109: {  	[tilespmem:s29+$0xFFFFFF80] =	vst v12;
	v23 =	vand.u32 $0x7F, v23  }
0x10a: {  	[tilespmem:s28+$0xFFFFFF90] =	vst v14;
	v39 =	vbroadcast v23, $0x0  }
0x10b: {  	v18 =	vld.idx.msk [tilespmem:v18+s5+$0x0], $0xffff;
	[tilespmem:s26+$0xFFFFFFA0] =	vst v13;
	v42 =	vor.u32 v0, v10  }
0x10c: {  	v40 =	vld.idx.msk [tilespmem:v21+s5+$0x0], $0xffff;
	s0 =	sadd.s32 $0x100, s29;
	[tilespmem:s25+$0xFFFFFFB0] =	vst v15;
	v41 =	vor.u32 v0, v39  }
0x10d: {  	v8 =	vor.u32 v3, v8;
	v43 =	vld.idx.msk [tilespmem:v19+s5+$0x0], $0xffff;
	[tilespmem:s0+$0xFFFFFF80] =	vst v11  }
0x10e: {  	v48 =	vor.u32 v1, v7;
	v45 =	vld.idx.msk [tilespmem:v20+s5+$0x0], $0xffff;
	[tilespmem:s26+$0x30] =	vst v16  }
0x10f: {  	v46 =	vor.u32 v1, v9;
	v47 =	vld.idx.msk [tilespmem:v22+s5+$0x0], $0xffff;
	[tilespmem:s28+$0x20] =	vst v17  }
0x110: {  	v44 =	vor.u32 v2, v6;
	[tilespmem:s29+$0x10] =	vst v18;
	v49 =	vld.idx.msk [tilespmem:v42+s5+$0x0], $0xffff  }
0x111: {  	v51 =	vor.u32 v1, v10;
	[tilespmem:s0+$0x0] =	vst v40;
	v13 =	vld.idx.msk [tilespmem:v41+s5+$0x0], $0xffff  }
0x112: {  	v50 =	vor.u32 v1, v39;
	v8 =	vld.idx.msk [tilespmem:v8+s5+$0x0], $0xffff;
	[tilespmem:s29+$0xFFFFFF90] =	vst v43  }
0x113: {  	v5 =	vor.u32 v3, v5;
	v18 =	vld.idx.msk [tilespmem:v48+s5+$0x0], $0xffff;
	[tilespmem:s28+$0xFFFFFFA0] =	vst v45  }
0x114: {  	v52 =	vor.u32 v2, v4;
	s31 =	sadd.s32 $0x100, s0;
	v17 =	vld.idx.msk [tilespmem:v46+s5+$0x0], $0xffff;
	[tilespmem:s26+$0xFFFFFFB0] =	vst v47  }
0x115: {  	v53 =	vor.u32 v2, v9;
	v16 =	vld.idx.msk [tilespmem:v44+s5+$0x0], $0xffff;
	[tilespmem:s31+$0xFFFFFF80] =	vst v49  }
0x116: {  	v54 =	vor.u32 v2, v7;
	v55 =	vld.idx.msk [tilespmem:v51+s5+$0x0], $0xffff;
	[tilespmem:s31+$0x0] =	vst v13  }
0x117: {  	v58 =	vor.u32 v2, v10;
	[tilespmem:s28+$0x30] =	vst v8;
	v11 =	vld.idx.msk [tilespmem:v50+s5+$0x0], $0xffff  }
0x118: {  	v56 =	vor.u32 v2, v39;
	v5 =	vld.idx.msk [tilespmem:v5+s5+$0x0], $0xffff;
	[tilespmem:s0+$0xFFFFFF90] =	vst v18  }
0x119: {  	v59 =	vor.u32 v3, v6;
	v57 =	vld.idx.msk [tilespmem:v52+s5+$0x0], $0xffff;
	[tilespmem:s0+$0x10] =	vst v17  }
0x11a: {  	v4 =	vor.u32 v3, v4;
	[tilespmem:s29+$0x20] =	vst v16;
	v17 =	vld.idx.msk [tilespmem:v53+s5+$0x0], $0xffff  }
0x11b: {  	v60 =	vor.u32 v3, v9;
	v13 =	vld.idx.msk [tilespmem:v54+s5+$0x0], $0xffff;
	[tilespmem:s31+$0xFFFFFF90] =	vst v55  }
0x11c: {  	v61 =	vor.u32 v3, v7;
	v63 =	vld.idx.msk [tilespmem:v58+s5+$0x0], $0xffff;
	[tilespmem:s31+$0x10] =	vst v11  }
0x11d: {  	[tilespmem:s28+$0xFFFFFFB0] =	vst v5;
	v5 =	vor.u32 v3, v10;
	v11 =	vld.idx.msk [tilespmem:v56+s5+$0x0], $0xffff  }
0x11e: {  	v62 =	vor.u32 v3, v39;
	[tilespmem:s29+$0xFFFFFFA0] =	vst v57;
	v6 =	vld.idx.msk [tilespmem:v59+s5+$0x0], $0xffff  }
0x11f: {  	v4 =	vld.idx.msk [tilespmem:v4+s5+$0x0], $0xffff;
	[tilespmem:s0+$0x20] =	vst v17  }
0x120: {  	v9 =	vld.idx.msk [tilespmem:v60+s5+$0x0], $0xffff;
	[tilespmem:s0+$0xFFFFFFA0] =	vst v13  }
0x121: {  	v7 =	vld.idx.msk [tilespmem:v61+s5+$0x0], $0xffff;
	[tilespmem:s31+$0xFFFFFFA0] =	vst v63  }
0x122: {  	v5 =	vld.idx.msk [tilespmem:v5+s5+$0x0], $0xffff;
	[tilespmem:s31+$0x20] =	vst v11  }
0x123: {  	[tilespmem:s29+$0x30] =	vst v6;
	v8 =	vld.idx.msk [tilespmem:v62+s5+$0x0], $0xffff  }
0x124: {  	[tilespmem:s29+$0xFFFFFFB0] =	vst v4  }
.Ltmp7:
0x125: {  	[tilespmem:s0+$0x30] =	vst v9;
	(pc) =	sbr.rel .LBB2_11-.Ltmp7, $4  }
0x126: {  	[tilespmem:s0+$0xFFFFFFB0] =	vst v7  }
0x127: {  	[tilespmem:s31+$0xFFFFFFB0] =	vst v5  }
0x128: {  	[tilespmem:s31+$0x30] =	vst v8  }
0x129: {  	[hbm4b:s12+s5] =	stream.linear.scatter [tilespmem:s19], [sflag:$0x3], $0x4000, $0x38;
	[tilespmem:$0xC000] =	vst v63  }
.LBB2_12:
0x12a: {  	_ =	sfence.sel $0x180000  }
0x12b: {  	[bflag:$0x0] =	sbarrier.arrive $0xFFFF  }
0x12c: {  	_ =	strace $0x90000047  }
0x12d: {  	s0 =	stileid.u32;
	[bflag:$0x2] =	sbarrier.arrive $0xFFFF  }
0x12e: {  	p0 =	sne.s32 s0, $0x0;
	s0 =	rddreg [dreg:$0x3]  }
0x12f: {  	s0 =	sadd.s32 @!p0 $0x100000, s0  }
0x130: {  	[sflag:s0] =	ssyncadd.tile.s32 @!p0 $0x1;
	_ =	shalt  }
.Lfunc_end2:
_tile_overlayer_lowered:
.L_overlay_start_2:
0x131: {  	(tag) =	ssettag $0x2  }
0x132: {  	s0 =	rddreg [dreg:$0x0];
	s2 =	stileid.u32  }
0x133: {  	s1 =	rddreg [dreg:$0x1];
	p0 =	sne.s32 s2, $0x0  }
0x134: {  	s3 =	rddreg [dreg:$0x2];
	[bflag:$0x3] =	sbarrier.arrive $0xFFFF;
	s2 =	simm.s32 @!p0 $0x1C05  }
0x135: {  	[timem:s3], [sflag:s2] =	dma.local @!p0 [hbm:s0], s1  }
0x136: {  	s0 =	simm.s32 @!p0 $0x5  }
0x137: {  	_ =	swait.ge @!p0 [sflag:s0], s1  }
0x138: {  	s1 =	ssub.s32 @!p0 $0x0, s1;
	[sflag:s0] =	ssyncset.done @!p0 $0x0  }
0x139: {  	[sflag:s0] =	ssyncadd.s32 @!p0 s1  }
0x13a: {  	[bflag:$0x3] =	sbarrier.arrive $0xFFFF  }
0x13b: {  	_ =	shalt  }

</sc_bundles>
